<compile_context>
chip_gen: v7x
topology: tpu7x:2x2x1
jax: 0.10.2.dev20260603
libtpu: 0.0.44.dev20260713+nightly
codegen_flags: <defaults>
</compile_context>

<pallas_src>
import functools
import math

import jax
import jax.numpy as jnp
from jax import lax
from jax.experimental import pallas as pl
from jax.experimental.pallas import tpu as pltpu
from jax.experimental.pallas import tpu_sc as plsc

D_MODEL = 2048
SCALE = math.sqrt(D_MODEL)

NC = 2
NS = 16
NW = NC * NS
LANES = 16
LPR = D_MODEL // LANES

B_TOTAL = 4 * 8192
B_PER_W = B_TOTAL // NW
K = 8
N_CHUNKS = B_PER_W // K
NBUF = 4
LOOKAHEAD = 2

_mesh = plsc.VectorSubcoreMesh(core_axis_name="c", subcore_axis_name="s")


@functools.partial(
    pl.kernel,
    out_type=jax.ShapeDtypeStruct((B_TOTAL, D_MODEL), jnp.float32),
    mesh=_mesh,
    scratch_types=[
        pltpu.VMEM((B_PER_W,), jnp.int32),
        [pltpu.VMEM((K, D_MODEL), jnp.float32)] * NBUF,
        [pltpu.SemaphoreType.DMA] * NBUF,
        [pltpu.SemaphoreType.DMA] * NBUF,
    ],
)
def _embed_sc(idx_hbm, table_hbm, out_hbm, idx_v, bufs, sem_in, sem_out):
    wid = lax.axis_index("s") * NC + lax.axis_index("c")
    base = wid * B_PER_W
    pltpu.sync_copy(idx_hbm.at[pl.ds(base, B_PER_W)], idx_v)

    def idx_slice(g):
        return idx_v.at[pl.ds(pl.multiple_of(g * K, 8), K)]

    def out_slice(g):
        return out_hbm.at[pl.ds(pl.multiple_of(base + g * K, 8), K)]

    for b in range(LOOKAHEAD):
        pltpu.async_copy(table_hbm.at[idx_slice(b)], bufs[b], sem_in[b])

    def group_body(t, carry):
        g0 = t * NBUF
        for b in range(NBUF):
            g = g0 + b
            gn = g + LOOKAHEAD
            bn = (b + LOOKAHEAD) % NBUF

            @pl.when(gn < N_CHUNKS)
            def _():
                @pl.when(gn >= NBUF)
                def _():
                    pltpu.make_async_copy(
                        bufs[bn], out_slice(gn - NBUF), sem_out[bn]
                    ).wait()

                pltpu.async_copy(
                    table_hbm.at[idx_slice(gn)], bufs[bn], sem_in[bn]
                )

            pltpu.make_async_copy(
                table_hbm.at[idx_slice(g)], bufs[b], sem_in[b]
            ).wait()

            @plsc.parallel_loop(0, LPR, unroll=8)
            def _scale(j):
                col = pl.multiple_of(lax.shift_left(j, 4), LANES)
                for r in range(K):
                    bufs[b][r, pl.ds(col, LANES)] = (
                        bufs[b][r, pl.ds(col, LANES)] * SCALE
                    )

            pltpu.async_copy(bufs[b], out_slice(g), sem_out[b])
        return carry

    lax.fori_loop(0, N_CHUNKS // NBUF, group_body, 0)

    for g in range(N_CHUNKS - NBUF, N_CHUNKS):
        b = g % NBUF
        pltpu.make_async_copy(bufs[b], out_slice(g), sem_out[b]).wait()


def kernel(x, table):
    idx = x.reshape(-1).astype(jnp.int32)
    out = _embed_sc(idx, table)
    return out.reshape(x.shape + (D_MODEL,))

# --- scband reference (transcript-rebuilt; emitter-appended) ---
"""Pipeline reference for scband-input-embeddings-2920577762076 (READ-ONLY COPY).

The authoritative reference and input builder live on the scoring server;
editing this copy changes nothing except your own understanding.
"""

import jax, jax.numpy as jnp
import numpy as np
import math

D_MODEL = 2048
VOCAB = 100000

def setup_inputs(seed: int = 0) -> dict:
    key = jax.random.key(seed)
    k_idx, k_tab = jax.random.split(key)
    x = jax.random.randint(k_idx, (4, 8192), 0, VOCAB, dtype=jnp.int64 if jax.config.jax_enable_x64 else jnp.int32)
    table = jax.random.normal(k_tab, (VOCAB, D_MODEL), dtype=jnp.float32)
    return {"x": x, "table": table}

def reference(x, table):
    # nn.Embedding lookup followed by sqrt(d_model) scaling
    emb = jnp.take(table, x, axis=0)
    return emb * math.sqrt(D_MODEL)

if __name__ == "__main__":
    import jax
    _d = setup_inputs()
    print(jax.jit(kernel)(*tuple(_d.values())))

</pallas_src>

<mosaic_0001>
#map = affine_map<(d0, d1) -> (0)>
#map1 = affine_map<(d0, d1) -> (0, 0)>
module attributes {stable_mosaic.version = 14 : i64} {
  func.func @_embed_sc(%arg0: i32, %arg1: i32, %arg2: memref<32768xi32, #tpu.memory_space<hbm>>, %arg3: memref<100000x2048xf32, #tpu.memory_space<hbm>>, %arg4: memref<32768x2048xf32, #tpu.memory_space<hbm>>, %arg5: memref<1024xi32, #tpu.memory_space<vmem>>, %arg6: memref<8x2048xf32, #tpu.memory_space<vmem>>, %arg7: memref<8x2048xf32, #tpu.memory_space<vmem>>, %arg8: memref<8x2048xf32, #tpu.memory_space<vmem>>, %arg9: memref<8x2048xf32, #tpu.memory_space<vmem>>, %arg10: memref<!tpu.dma_semaphore, #tpu.memory_space<semaphore_mem>>, %arg11: memref<!tpu.dma_semaphore, #tpu.memory_space<semaphore_mem>>, %arg12: memref<!tpu.dma_semaphore, #tpu.memory_space<semaphore_mem>>, %arg13: memref<!tpu.dma_semaphore, #tpu.memory_space<semaphore_mem>>, %arg14: memref<!tpu.dma_semaphore, #tpu.memory_space<semaphore_mem>>, %arg15: memref<!tpu.dma_semaphore, #tpu.memory_space<semaphore_mem>>, %arg16: memref<!tpu.dma_semaphore, #tpu.memory_space<semaphore_mem>>, %arg17: memref<!tpu.dma_semaphore, #tpu.memory_space<semaphore_mem>>) attributes {dimension_semantics = [#tpu.dimension_semantics<core_parallel>, #tpu.dimension_semantics<subcore_parallel>], iteration_bounds = array<i64: 2, 16>, scalar_prefetch = 0 : i64, scratch_operands = 13 : i64, tpu.core_type = #tpu.core_type<sc_vector_subcore>, window_params = [{transform_indices = #map}, {transform_indices = #map1}, {transform_indices = #map1}]} {
    %mul3A = arith.constant 2 : i32
    %mul3A_0 = arith.muli %arg1, %mul3A : i32
    %add3A = arith.addi %mul3A_0, %arg0 : i32
    %mul3A_1 = arith.constant 1024 : i32
    %mul3A_2 = arith.muli %add3A, %mul3A_1 : i32
    "tpu.region"() ({
      %run_scoped3A = tpu.sem_alloc : memref<!tpu.dma_semaphore, #tpu.memory_space<semaphore_mem>>
      %dma_start3A_45 = tpu.memref_slice %arg2[%mul3A_2] : memref<32768xi32, #tpu.memory_space<hbm>> -> memref<1024xi32, #tpu.memory_space<hbm>>
      %dma_start3A_46 = tpu.memref_slice %arg2[%mul3A_2] : memref<32768xi32, #tpu.memory_space<hbm>> -> memref<1024xi32, #tpu.memory_space<hbm>>
      tpu.enqueue_dma source(%dma_start3A_46 : memref<1024xi32, #tpu.memory_space<hbm>>) target(%arg5 : memref<1024xi32, #tpu.memory_space<vmem>>) target_semaphore(%run_scoped3A : memref<!tpu.dma_semaphore, #tpu.memory_space<semaphore_mem>>)
      %dma_wait3A_47 = tpu.memref_slice %arg2[%mul3A_2] : memref<32768xi32, #tpu.memory_space<hbm>> -> memref<1024xi32, #tpu.memory_space<hbm>>
      %dma_wait3A_48 = tpu.memref_slice %arg2[%mul3A_2] : memref<32768xi32, #tpu.memory_space<hbm>> -> memref<1024xi32, #tpu.memory_space<hbm>>
      tpu.wait_dma2 semaphore(%run_scoped3A : memref<!tpu.dma_semaphore, #tpu.memory_space<semaphore_mem>>) src(%dma_wait3A_48 : memref<1024xi32, #tpu.memory_space<hbm>>) dst(%arg5 : memref<1024xi32, #tpu.memory_space<vmem>>)
      tpu.yield
    }) : () -> ()
    %multiple_of3A = arith.constant 0 : i32
    %multiple_of3A_3 = tpu.assume_multiple %multiple_of3A, 8 : i32
    %dma_start3A = tpu.memref_slice %arg5[%multiple_of3A_3] : memref<1024xi32, #tpu.memory_space<vmem>> -> memref<8xi32, #tpu.memory_space<vmem>>
    %dma_start3A_4 = arith.constant 0 : i32
    %dma_start3A_5 = arith.constant 0 : i32
    %dma_start3A_6 = tpu.memref_slice %arg3[%dma_start3A_4, %dma_start3A_5] : memref<100000x2048xf32, #tpu.memory_space<hbm>> -> memref<100000x2048xf32, #tpu.memory_space<hbm>>
    tpu.enqueue_indirect_dma source(%dma_start3A_6 : memref<100000x2048xf32, #tpu.memory_space<hbm>>) target(%arg6 : memref<8x2048xf32, #tpu.memory_space<vmem>>) offsets(%dma_start3A : memref<8xi32, #tpu.memory_space<vmem>>) semaphore(%arg10 : memref<!tpu.dma_semaphore, #tpu.memory_space<semaphore_mem>>)
    %multiple_of3A_7 = arith.constant 8 : i32
    %multiple_of3A_8 = tpu.assume_multiple %multiple_of3A_7, 8 : i32
    %dma_start3A_9 = tpu.memref_slice %arg5[%multiple_of3A_8] : memref<1024xi32, #tpu.memory_space<vmem>> -> memref<8xi32, #tpu.memory_space<vmem>>
    %dma_start3A_10 = arith.constant 0 : i32
    %dma_start3A_11 = arith.constant 0 : i32
    %dma_start3A_12 = tpu.memref_slice %arg3[%dma_start3A_10, %dma_start3A_11] : memref<100000x2048xf32, #tpu.memory_space<hbm>> -> memref<100000x2048xf32, #tpu.memory_space<hbm>>
    tpu.enqueue_indirect_dma source(%dma_start3A_12 : memref<100000x2048xf32, #tpu.memory_space<hbm>>) target(%arg7 : memref<8x2048xf32, #tpu.memory_space<vmem>>) offsets(%dma_start3A_9 : memref<8xi32, #tpu.memory_space<vmem>>) semaphore(%arg11 : memref<!tpu.dma_semaphore, #tpu.memory_space<semaphore_mem>>)
    %scan3A = arith.constant 0 : i32
    %scan3A_13 = arith.constant 0 : i32
    %scan3A_14 = arith.constant 32 : i32
    %scan3A_15 = arith.addi %scan3A_13, %scan3A_14 : i32
    %scan3A_16 = arith.constant 1 : i32
    scf.for %scan3A_45 = %scan3A_13 to %scan3A_15 step %scan3A_16  : i32 {
      %mul3A_46 = arith.constant 4 : i32
      %mul3A_47 = arith.muli %scan3A_45, %mul3A_46 : i32
      %add3A_48 = arith.constant 0 : i32
      %add3A_49 = arith.addi %mul3A_47, %add3A_48 : i32
      %add3A_50 = arith.constant 2 : i32
      %add3A_51 = arith.addi %add3A_49, %add3A_50 : i32
      %lt3A = arith.constant 128 : i32
      %lt3A_52 = arith.cmpi slt, %add3A_51, %lt3A : i32
      %convert_element_type3A = arith.extui %lt3A_52 : i1 to i32
      %cond3A = arith.constant 0 : i32
      %cond3A_53 = arith.cmpi ne, %convert_element_type3A, %cond3A : i32
      scf.if %cond3A_53 {
        %ge3A = arith.constant 4 : i32
        %ge3A_152 = arith.cmpi sge, %add3A_51, %ge3A : i32
        %convert_element_type3A_153 = arith.extui %ge3A_152 : i1 to i32
        %cond3A_154 = arith.constant 0 : i32
        %cond3A_155 = arith.cmpi ne, %convert_element_type3A_153, %cond3A_154 : i32
        scf.if %cond3A_155 {
          %sub3A = arith.constant 4 : i32
          %sub3A_163 = arith.subi %add3A_51, %sub3A : i32
          %mul3A_164 = arith.constant 8 : i32
          %mul3A_165 = arith.muli %sub3A_163, %mul3A_164 : i32
          %add3A_166 = arith.addi %mul3A_2, %mul3A_165 : i32
          %multiple_of3A_167 = tpu.assume_multiple %add3A_166, 8 : i32
          %dma_wait3A_168 = arith.constant 0 : i32
          %dma_wait3A_169 = tpu.memref_slice %arg4[%multiple_of3A_167, %dma_wait3A_168] : memref<32768x2048xf32, #tpu.memory_space<hbm>> -> memref<8x2048xf32, #tpu.memory_space<hbm>>
          %dma_wait3A_170 = arith.constant 0 : i32
          %dma_wait3A_171 = tpu.memref_slice %arg4[%multiple_of3A_167, %dma_wait3A_170] : memref<32768x2048xf32, #tpu.memory_space<hbm>> -> memref<8x2048xf32, #tpu.memory_space<hbm>>
          tpu.wait_dma2 semaphore(%arg16 : memref<!tpu.dma_semaphore, #tpu.memory_space<semaphore_mem>>) src(%arg8 : memref<8x2048xf32, #tpu.memory_space<vmem>>) dst(%dma_wait3A_171 : memref<8x2048xf32, #tpu.memory_space<hbm>>)
        } else {
        }
        %mul3A_156 = arith.constant 8 : i32
        %mul3A_157 = arith.muli %add3A_51, %mul3A_156 : i32
        %multiple_of3A_158 = tpu.assume_multiple %mul3A_157, 8 : i32
        %dma_start3A_159 = tpu.memref_slice %arg5[%multiple_of3A_158] : memref<1024xi32, #tpu.memory_space<vmem>> -> memref<8xi32, #tpu.memory_space<vmem>>
        %dma_start3A_160 = arith.constant 0 : i32
        %dma_start3A_161 = arith.constant 0 : i32
        %dma_start3A_162 = tpu.memref_slice %arg3[%dma_start3A_160, %dma_start3A_161] : memref<100000x2048xf32, #tpu.memory_space<hbm>> -> memref<100000x2048xf32, #tpu.memory_space<hbm>>
        tpu.enqueue_indirect_dma source(%dma_start3A_162 : memref<100000x2048xf32, #tpu.memory_space<hbm>>) target(%arg8 : memref<8x2048xf32, #tpu.memory_space<vmem>>) offsets(%dma_start3A_159 : memref<8xi32, #tpu.memory_space<vmem>>) semaphore(%arg12 : memref<!tpu.dma_semaphore, #tpu.memory_space<semaphore_mem>>)
      } else {
      }
      %mul3A_54 = arith.constant 8 : i32
      %mul3A_55 = arith.muli %add3A_49, %mul3A_54 : i32
      %multiple_of3A_56 = tpu.assume_multiple %mul3A_55, 8 : i32
      %dma_wait3A_57 = tpu.memref_slice %arg5[%multiple_of3A_56] : memref<1024xi32, #tpu.memory_space<vmem>> -> memref<8xi32, #tpu.memory_space<vmem>>
      %dma_wait3A_58 = arith.constant 0 : i32
      %dma_wait3A_59 = arith.constant 0 : i32
      %dma_wait3A_60 = tpu.memref_slice %arg3[%dma_wait3A_58, %dma_wait3A_59] : memref<100000x2048xf32, #tpu.memory_space<hbm>> -> memref<100000x2048xf32, #tpu.memory_space<hbm>>
      tpu.wait_indirect_dma semaphore(%arg10 : memref<!tpu.dma_semaphore, #tpu.memory_space<semaphore_mem>>) src(%dma_wait3A_60 : memref<100000x2048xf32, #tpu.memory_space<hbm>>) dst(%arg6 : memref<8x2048xf32, #tpu.memory_space<vmem>>)
      %parallel_loop3A = arith.constant 0 : i32
      %parallel_loop3A_61 = arith.constant 128 : i32
      %parallel_loop3A_62 = arith.constant 1 : i32
      scf.for %parallel_loop3A_152 = %parallel_loop3A to %parallel_loop3A_61 step %parallel_loop3A_62  : i32 {
        %parallel_loop3A_153 = arith.constant 4 : i32
        %parallel_loop3A_154 = arith.shli %parallel_loop3A_152, %parallel_loop3A_153 : i32
        %parallel_loop3A_155 = tpu.assume_multiple %parallel_loop3A_154, 16 : i32
        %parallel_loop3A_156 = arith.constant 0 : i32
        %parallel_loop3A_157 = arith.index_cast %parallel_loop3A_156 : i32 to index
        %parallel_loop3A_158 = arith.index_cast %parallel_loop3A_155 : i32 to index
        %parallel_loop3A_159 = tpu.vector_load %arg6[%parallel_loop3A_157, %parallel_loop3A_158] {strides = array<i32>} : memref<8x2048xf32, #tpu.memory_space<vmem>>, vector<1x16xf32>,
        %parallel_loop3A_160 = vector.shape_cast %parallel_loop3A_159 : vector<1x16xf32> to vector<16xf32>
        %parallel_loop3A_161 = arith.constant 45.2548332 : f32
        %parallel_loop3A_162 = vector.broadcast %parallel_loop3A_161 : f32 to vector<16xf32>
        %parallel_loop3A_163 = arith.mulf %parallel_loop3A_160, %parallel_loop3A_162 : vector<16xf32>
        %parallel_loop3A_164 = arith.constant 0 : i32
        %parallel_loop3A_165 = arith.index_cast %parallel_loop3A_164 : i32 to index
        %parallel_loop3A_166 = arith.index_cast %parallel_loop3A_155 : i32 to index
        %parallel_loop3A_167 = tpu.vector_load %arg6[%parallel_loop3A_165, %parallel_loop3A_166] {strides = array<i32>} : memref<8x2048xf32, #tpu.memory_space<vmem>>, vector<1x16xf32>,
        %parallel_loop3A_168 = vector.shape_cast %parallel_loop3A_167 : vector<1x16xf32> to vector<16xf32>
        %parallel_loop3A_169 = vector.shape_cast %parallel_loop3A_163 : vector<16xf32> to vector<1x16xf32>
        tpu.vector_store %arg6[%parallel_loop3A_165, %parallel_loop3A_166], %parallel_loop3A_169 {strides = array<i32>} : memref<8x2048xf32, #tpu.memory_space<vmem>>, vector<1x16xf32>,
        %parallel_loop3A_170 = arith.constant 1 : i32
        %parallel_loop3A_171 = arith.index_cast %parallel_loop3A_170 : i32 to index
        %parallel_loop3A_172 = arith.index_cast %parallel_loop3A_155 : i32 to index
        %parallel_loop3A_173 = tpu.vector_load %arg6[%parallel_loop3A_171, %parallel_loop3A_172] {strides = array<i32>} : memref<8x2048xf32, #tpu.memory_space<vmem>>, vector<1x16xf32>,
        %parallel_loop3A_174 = vector.shape_cast %parallel_loop3A_173 : vector<1x16xf32> to vector<16xf32>
        %parallel_loop3A_175 = arith.constant 45.2548332 : f32
        %parallel_loop3A_176 = vector.broadcast %parallel_loop3A_175 : f32 to vector<16xf32>
        %parallel_loop3A_177 = arith.mulf %parallel_loop3A_174, %parallel_loop3A_176 : vector<16xf32>
        %parallel_loop3A_178 = arith.constant 1 : i32
        %parallel_loop3A_179 = arith.index_cast %parallel_loop3A_178 : i32 to index
        %parallel_loop3A_180 = arith.index_cast %parallel_loop3A_155 : i32 to index
        %parallel_loop3A_181 = tpu.vector_load %arg6[%parallel_loop3A_179, %parallel_loop3A_180] {strides = array<i32>} : memref<8x2048xf32, #tpu.memory_space<vmem>>, vector<1x16xf32>,
        %parallel_loop3A_182 = vector.shape_cast %parallel_loop3A_181 : vector<1x16xf32> to vector<16xf32>
        %parallel_loop3A_183 = vector.shape_cast %parallel_loop3A_177 : vector<16xf32> to vector<1x16xf32>
        tpu.vector_store %arg6[%parallel_loop3A_179, %parallel_loop3A_180], %parallel_loop3A_183 {strides = array<i32>} : memref<8x2048xf32, #tpu.memory_space<vmem>>, vector<1x16xf32>,
        %parallel_loop3A_184 = arith.constant 2 : i32
        %parallel_loop3A_185 = arith.index_cast %parallel_loop3A_184 : i32 to index
        %parallel_loop3A_186 = arith.index_cast %parallel_loop3A_155 : i32 to index
        %parallel_loop3A_187 = tpu.vector_load %arg6[%parallel_loop3A_185, %parallel_loop3A_186] {strides = array<i32>} : memref<8x2048xf32, #tpu.memory_space<vmem>>, vector<1x16xf32>,
        %parallel_loop3A_188 = vector.shape_cast %parallel_loop3A_187 : vector<1x16xf32> to vector<16xf32>
        %parallel_loop3A_189 = arith.constant 45.2548332 : f32
        %parallel_loop3A_190 = vector.broadcast %parallel_loop3A_189 : f32 to vector<16xf32>
        %parallel_loop3A_191 = arith.mulf %parallel_loop3A_188, %parallel_loop3A_190 : vector<16xf32>
        %parallel_loop3A_192 = arith.constant 2 : i32
        %parallel_loop3A_193 = arith.index_cast %parallel_loop3A_192 : i32 to index
        %parallel_loop3A_194 = arith.index_cast %parallel_loop3A_155 : i32 to index
        %parallel_loop3A_195 = tpu.vector_load %arg6[%parallel_loop3A_193, %parallel_loop3A_194] {strides = array<i32>} : memref<8x2048xf32, #tpu.memory_space<vmem>>, vector<1x16xf32>,
        %parallel_loop3A_196 = vector.shape_cast %parallel_loop3A_195 : vector<1x16xf32> to vector<16xf32>
        %parallel_loop3A_197 = vector.shape_cast %parallel_loop3A_191 : vector<16xf32> to vector<1x16xf32>
        tpu.vector_store %arg6[%parallel_loop3A_193, %parallel_loop3A_194], %parallel_loop3A_197 {strides = array<i32>} : memref<8x2048xf32, #tpu.memory_space<vmem>>, vector<1x16xf32>,
        %parallel_loop3A_198 = arith.constant 3 : i32
        %parallel_loop3A_199 = arith.index_cast %parallel_loop3A_198 : i32 to index
        %parallel_loop3A_200 = arith.index_cast %parallel_loop3A_155 : i32 to index
        %parallel_loop3A_201 = tpu.vector_load %arg6[%parallel_loop3A_199, %parallel_loop3A_200] {strides = array<i32>} : memref<8x2048xf32, #tpu.memory_space<vmem>>, vector<1x16xf32>,
        %parallel_loop3A_202 = vector.shape_cast %parallel_loop3A_201 : vector<1x16xf32> to vector<16xf32>
        %parallel_loop3A_203 = arith.constant 45.2548332 : f32
        %parallel_loop3A_204 = vector.broadcast %parallel_loop3A_203 : f32 to vector<16xf32>
        %parallel_loop3A_205 = arith.mulf %parallel_loop3A_202, %parallel_loop3A_204 : vector<16xf32>
        %parallel_loop3A_206 = arith.constant 3 : i32
        %parallel_loop3A_207 = arith.index_cast %parallel_loop3A_206 : i32 to index
        %parallel_loop3A_208 = arith.index_cast %parallel_loop3A_155 : i32 to index
        %parallel_loop3A_209 = tpu.vector_load %arg6[%parallel_loop3A_207, %parallel_loop3A_208] {strides = array<i32>} : memref<8x2048xf32, #tpu.memory_space<vmem>>, vector<1x16xf32>,
        %parallel_loop3A_210 = vector.shape_cast %parallel_loop3A_209 : vector<1x16xf32> to vector<16xf32>
        %parallel_loop3A_211 = vector.shape_cast %parallel_loop3A_205 : vector<16xf32> to vector<1x16xf32>
        tpu.vector_store %arg6[%parallel_loop3A_207, %parallel_loop3A_208], %parallel_loop3A_211 {strides = array<i32>} : memref<8x2048xf32, #tpu.memory_space<vmem>>, vector<1x16xf32>,
        %parallel_loop3A_212 = arith.constant 4 : i32
        %parallel_loop3A_213 = arith.index_cast %parallel_loop3A_212 : i32 to index
        %parallel_loop3A_214 = arith.index_cast %parallel_loop3A_155 : i32 to index
        %parallel_loop3A_215 = tpu.vector_load %arg6[%parallel_loop3A_213, %parallel_loop3A_214] {strides = array<i32>} : memref<8x2048xf32, #tpu.memory_space<vmem>>, vector<1x16xf32>,
        %parallel_loop3A_216 = vector.shape_cast %parallel_loop3A_215 : vector<1x16xf32> to vector<16xf32>
        %parallel_loop3A_217 = arith.constant 45.2548332 : f32
        %parallel_loop3A_218 = vector.broadcast %parallel_loop3A_217 : f32 to vector<16xf32>
        %parallel_loop3A_219 = arith.mulf %parallel_loop3A_216, %parallel_loop3A_218 : vector<16xf32>
        %parallel_loop3A_220 = arith.constant 4 : i32
        %parallel_loop3A_221 = arith.index_cast %parallel_loop3A_220 : i32 to index
        %parallel_loop3A_222 = arith.index_cast %parallel_loop3A_155 : i32 to index
        %parallel_loop3A_223 = tpu.vector_load %arg6[%parallel_loop3A_221, %parallel_loop3A_222] {strides = array<i32>} : memref<8x2048xf32, #tpu.memory_space<vmem>>, vector<1x16xf32>,
        %parallel_loop3A_224 = vector.shape_cast %parallel_loop3A_223 : vector<1x16xf32> to vector<16xf32>
        %parallel_loop3A_225 = vector.shape_cast %parallel_loop3A_219 : vector<16xf32> to vector<1x16xf32>
        tpu.vector_store %arg6[%parallel_loop3A_221, %parallel_loop3A_222], %parallel_loop3A_225 {strides = array<i32>} : memref<8x2048xf32, #tpu.memory_space<vmem>>, vector<1x16xf32>,
        %parallel_loop3A_226 = arith.constant 5 : i32
        %parallel_loop3A_227 = arith.index_cast %parallel_loop3A_226 : i32 to index
        %parallel_loop3A_228 = arith.index_cast %parallel_loop3A_155 : i32 to index
        %parallel_loop3A_229 = tpu.vector_load %arg6[%parallel_loop3A_227, %parallel_loop3A_228] {strides = array<i32>} : memref<8x2048xf32, #tpu.memory_space<vmem>>, vector<1x16xf32>,
        %parallel_loop3A_230 = vector.shape_cast %parallel_loop3A_229 : vector<1x16xf32> to vector<16xf32>
        %parallel_loop3A_231 = arith.constant 45.2548332 : f32
        %parallel_loop3A_232 = vector.broadcast %parallel_loop3A_231 : f32 to vector<16xf32>
        %parallel_loop3A_233 = arith.mulf %parallel_loop3A_230, %parallel_loop3A_232 : vector<16xf32>
        %parallel_loop3A_234 = arith.constant 5 : i32
        %parallel_loop3A_235 = arith.index_cast %parallel_loop3A_234 : i32 to index
        %parallel_loop3A_236 = arith.index_cast %parallel_loop3A_155 : i32 to index
        %parallel_loop3A_237 = tpu.vector_load %arg6[%parallel_loop3A_235, %parallel_loop3A_236] {strides = array<i32>} : memref<8x2048xf32, #tpu.memory_space<vmem>>, vector<1x16xf32>,
        %parallel_loop3A_238 = vector.shape_cast %parallel_loop3A_237 : vector<1x16xf32> to vector<16xf32>
        %parallel_loop3A_239 = vector.shape_cast %parallel_loop3A_233 : vector<16xf32> to vector<1x16xf32>
        tpu.vector_store %arg6[%parallel_loop3A_235, %parallel_loop3A_236], %parallel_loop3A_239 {strides = array<i32>} : memref<8x2048xf32, #tpu.memory_space<vmem>>, vector<1x16xf32>,
        %parallel_loop3A_240 = arith.constant 6 : i32
        %parallel_loop3A_241 = arith.index_cast %parallel_loop3A_240 : i32 to index
        %parallel_loop3A_242 = arith.index_cast %parallel_loop3A_155 : i32 to index
        %parallel_loop3A_243 = tpu.vector_load %arg6[%parallel_loop3A_241, %parallel_loop3A_242] {strides = array<i32>} : memref<8x2048xf32, #tpu.memory_space<vmem>>, vector<1x16xf32>,
        %parallel_loop3A_244 = vector.shape_cast %parallel_loop3A_243 : vector<1x16xf32> to vector<16xf32>
        %parallel_loop3A_245 = arith.constant 45.2548332 : f32
        %parallel_loop3A_246 = vector.broadcast %parallel_loop3A_245 : f32 to vector<16xf32>
        %parallel_loop3A_247 = arith.mulf %parallel_loop3A_244, %parallel_loop3A_246 : vector<16xf32>
        %parallel_loop3A_248 = arith.constant 6 : i32
        %parallel_loop3A_249 = arith.index_cast %parallel_loop3A_248 : i32 to index
        %parallel_loop3A_250 = arith.index_cast %parallel_loop3A_155 : i32 to index
        %parallel_loop3A_251 = tpu.vector_load %arg6[%parallel_loop3A_249, %parallel_loop3A_250] {strides = array<i32>} : memref<8x2048xf32, #tpu.memory_space<vmem>>, vector<1x16xf32>,
        %parallel_loop3A_252 = vector.shape_cast %parallel_loop3A_251 : vector<1x16xf32> to vector<16xf32>
        %parallel_loop3A_253 = vector.shape_cast %parallel_loop3A_247 : vector<16xf32> to vector<1x16xf32>
        tpu.vector_store %arg6[%parallel_loop3A_249, %parallel_loop3A_250], %parallel_loop3A_253 {strides = array<i32>} : memref<8x2048xf32, #tpu.memory_space<vmem>>, vector<1x16xf32>,
        %parallel_loop3A_254 = arith.constant 7 : i32
        %parallel_loop3A_255 = arith.index_cast %parallel_loop3A_254 : i32 to index
        %parallel_loop3A_256 = arith.index_cast %parallel_loop3A_155 : i32 to index
        %parallel_loop3A_257 = tpu.vector_load %arg6[%parallel_loop3A_255, %parallel_loop3A_256] {strides = array<i32>} : memref<8x2048xf32, #tpu.memory_space<vmem>>, vector<1x16xf32>,
        %parallel_loop3A_258 = vector.shape_cast %parallel_loop3A_257 : vector<1x16xf32> to vector<16xf32>
        %parallel_loop3A_259 = arith.constant 45.2548332 : f32
        %parallel_loop3A_260 = vector.broadcast %parallel_loop3A_259 : f32 to vector<16xf32>
        %parallel_loop3A_261 = arith.mulf %parallel_loop3A_258, %parallel_loop3A_260 : vector<16xf32>
        %parallel_loop3A_262 = arith.constant 7 : i32
        %parallel_loop3A_263 = arith.index_cast %parallel_loop3A_262 : i32 to index
        %parallel_loop3A_264 = arith.index_cast %parallel_loop3A_155 : i32 to index
        %parallel_loop3A_265 = tpu.vector_load %arg6[%parallel_loop3A_263, %parallel_loop3A_264] {strides = array<i32>} : memref<8x2048xf32, #tpu.memory_space<vmem>>, vector<1x16xf32>,
        %parallel_loop3A_266 = vector.shape_cast %parallel_loop3A_265 : vector<1x16xf32> to vector<16xf32>
        %parallel_loop3A_267 = vector.shape_cast %parallel_loop3A_261 : vector<16xf32> to vector<1x16xf32>
        tpu.vector_store %arg6[%parallel_loop3A_263, %parallel_loop3A_264], %parallel_loop3A_267 {strides = array<i32>} : memref<8x2048xf32, #tpu.memory_space<vmem>>, vector<1x16xf32>,
      } {sc.loop_unroll_factor = 8 : i64, sc.parallel_access}
      %mul3A_63 = arith.constant 8 : i32
      %mul3A_64 = arith.muli %add3A_49, %mul3A_63 : i32
      %add3A_65 = arith.addi %mul3A_2, %mul3A_64 : i32
      %multiple_of3A_66 = tpu.assume_multiple %add3A_65, 8 : i32
      %dma_start3A_67 = arith.constant 0 : i32
      %dma_start3A_68 = tpu.memref_slice %arg4[%multiple_of3A_66, %dma_start3A_67] : memref<32768x2048xf32, #tpu.memory_space<hbm>> -> memref<8x2048xf32, #tpu.memory_space<hbm>>
      %dma_start3A_69 = arith.constant 0 : i32
      %dma_start3A_70 = tpu.memref_slice %arg4[%multiple_of3A_66, %dma_start3A_69] : memref<32768x2048xf32, #tpu.memory_space<hbm>> -> memref<8x2048xf32, #tpu.memory_space<hbm>>
      tpu.enqueue_dma source(%arg6 : memref<8x2048xf32, #tpu.memory_space<vmem>>) target(%dma_start3A_70 : memref<8x2048xf32, #tpu.memory_space<hbm>>) target_semaphore(%arg14 : memref<!tpu.dma_semaphore, #tpu.memory_space<semaphore_mem>>)
      %add3A_71 = arith.constant 1 : i32
      %add3A_72 = arith.addi %mul3A_47, %add3A_71 : i32
      %add3A_73 = arith.constant 2 : i32
      %add3A_74 = arith.addi %add3A_72, %add3A_73 : i32
      %lt3A_75 = arith.constant 128 : i32
      %lt3A_76 = arith.cmpi slt, %add3A_74, %lt3A_75 : i32
      %convert_element_type3A_77 = arith.extui %lt3A_76 : i1 to i32
      %cond3A_78 = arith.constant 0 : i32
      %cond3A_79 = arith.cmpi ne, %convert_element_type3A_77, %cond3A_78 : i32
      scf.if %cond3A_79 {
        %ge3A = arith.constant 4 : i32
        %ge3A_152 = arith.cmpi sge, %add3A_74, %ge3A : i32
        %convert_element_type3A_153 = arith.extui %ge3A_152 : i1 to i32
        %cond3A_154 = arith.constant 0 : i32
        %cond3A_155 = arith.cmpi ne, %convert_element_type3A_153, %cond3A_154 : i32
        scf.if %cond3A_155 {
          %sub3A = arith.constant 4 : i32
          %sub3A_163 = arith.subi %add3A_74, %sub3A : i32
          %mul3A_164 = arith.constant 8 : i32
          %mul3A_165 = arith.muli %sub3A_163, %mul3A_164 : i32
          %add3A_166 = arith.addi %mul3A_2, %mul3A_165 : i32
          %multiple_of3A_167 = tpu.assume_multiple %add3A_166, 8 : i32
          %dma_wait3A_168 = arith.constant 0 : i32
          %dma_wait3A_169 = tpu.memref_slice %arg4[%multiple_of3A_167, %dma_wait3A_168] : memref<32768x2048xf32, #tpu.memory_space<hbm>> -> memref<8x2048xf32, #tpu.memory_space<hbm>>
          %dma_wait3A_170 = arith.constant 0 : i32
          %dma_wait3A_171 = tpu.memref_slice %arg4[%multiple_of3A_167, %dma_wait3A_170] : memref<32768x2048xf32, #tpu.memory_space<hbm>> -> memref<8x2048xf32, #tpu.memory_space<hbm>>
          tpu.wait_dma2 semaphore(%arg17 : memref<!tpu.dma_semaphore, #tpu.memory_space<semaphore_mem>>) src(%arg9 : memref<8x2048xf32, #tpu.memory_space<vmem>>) dst(%dma_wait3A_171 : memref<8x2048xf32, #tpu.memory_space<hbm>>)
        } else {
        }
        %mul3A_156 = arith.constant 8 : i32
        %mul3A_157 = arith.muli %add3A_74, %mul3A_156 : i32
        %multiple_of3A_158 = tpu.assume_multiple %mul3A_157, 8 : i32
        %dma_start3A_159 = tpu.memref_slice %arg5[%multiple_of3A_158] : memref<1024xi32, #tpu.memory_space<vmem>> -> memref<8xi32, #tpu.memory_space<vmem>>
        %dma_start3A_160 = arith.constant 0 : i32
        %dma_start3A_161 = arith.constant 0 : i32
        %dma_start3A_162 = tpu.memref_slice %arg3[%dma_start3A_160, %dma_start3A_161] : memref<100000x2048xf32, #tpu.memory_space<hbm>> -> memref<100000x2048xf32, #tpu.memory_space<hbm>>
        tpu.enqueue_indirect_dma source(%dma_start3A_162 : memref<100000x2048xf32, #tpu.memory_space<hbm>>) target(%arg9 : memref<8x2048xf32, #tpu.memory_space<vmem>>) offsets(%dma_start3A_159 : memref<8xi32, #tpu.memory_space<vmem>>) semaphore(%arg13 : memref<!tpu.dma_semaphore, #tpu.memory_space<semaphore_mem>>)
      } else {
      }
      %mul3A_80 = arith.constant 8 : i32
      %mul3A_81 = arith.muli %add3A_72, %mul3A_80 : i32
      %multiple_of3A_82 = tpu.assume_multiple %mul3A_81, 8 : i32
      %dma_wait3A_83 = tpu.memref_slice %arg5[%multiple_of3A_82] : memref<1024xi32, #tpu.memory_space<vmem>> -> memref<8xi32, #tpu.memory_space<vmem>>
      %dma_wait3A_84 = arith.constant 0 : i32
      %dma_wait3A_85 = arith.constant 0 : i32
      %dma_wait3A_86 = tpu.memref_slice %arg3[%dma_wait3A_84, %dma_wait3A_85] : memref<100000x2048xf32, #tpu.memory_space<hbm>> -> memref<100000x2048xf32, #tpu.memory_space<hbm>>
      tpu.wait_indirect_dma semaphore(%arg11 : memref<!tpu.dma_semaphore, #tpu.memory_space<semaphore_mem>>) src(%dma_wait3A_86 : memref<100000x2048xf32, #tpu.memory_space<hbm>>) dst(%arg7 : memref<8x2048xf32, #tpu.memory_space<vmem>>)
      %parallel_loop3A_87 = arith.constant 0 : i32
      %parallel_loop3A_88 = arith.constant 128 : i32
      %parallel_loop3A_89 = arith.constant 1 : i32
      scf.for %parallel_loop3A_152 = %parallel_loop3A_87 to %parallel_loop3A_88 step %parallel_loop3A_89  : i32 {
        %parallel_loop3A_153 = arith.constant 4 : i32
        %parallel_loop3A_154 = arith.shli %parallel_loop3A_152, %parallel_loop3A_153 : i32
        %parallel_loop3A_155 = tpu.assume_multiple %parallel_loop3A_154, 16 : i32
        %parallel_loop3A_156 = arith.constant 0 : i32
        %parallel_loop3A_157 = arith.index_cast %parallel_loop3A_156 : i32 to index
        %parallel_loop3A_158 = arith.index_cast %parallel_loop3A_155 : i32 to index
        %parallel_loop3A_159 = tpu.vector_load %arg7[%parallel_loop3A_157, %parallel_loop3A_158] {strides = array<i32>} : memref<8x2048xf32, #tpu.memory_space<vmem>>, vector<1x16xf32>,
        %parallel_loop3A_160 = vector.shape_cast %parallel_loop3A_159 : vector<1x16xf32> to vector<16xf32>
        %parallel_loop3A_161 = arith.constant 45.2548332 : f32
        %parallel_loop3A_162 = vector.broadcast %parallel_loop3A_161 : f32 to vector<16xf32>
        %parallel_loop3A_163 = arith.mulf %parallel_loop3A_160, %parallel_loop3A_162 : vector<16xf32>
        %parallel_loop3A_164 = arith.constant 0 : i32
        %parallel_loop3A_165 = arith.index_cast %parallel_loop3A_164 : i32 to index
        %parallel_loop3A_166 = arith.index_cast %parallel_loop3A_155 : i32 to index
        %parallel_loop3A_167 = tpu.vector_load %arg7[%parallel_loop3A_165, %parallel_loop3A_166] {strides = array<i32>} : memref<8x2048xf32, #tpu.memory_space<vmem>>, vector<1x16xf32>,
        %parallel_loop3A_168 = vector.shape_cast %parallel_loop3A_167 : vector<1x16xf32> to vector<16xf32>
        %parallel_loop3A_169 = vector.shape_cast %parallel_loop3A_163 : vector<16xf32> to vector<1x16xf32>
        tpu.vector_store %arg7[%parallel_loop3A_165, %parallel_loop3A_166], %parallel_loop3A_169 {strides = array<i32>} : memref<8x2048xf32, #tpu.memory_space<vmem>>, vector<1x16xf32>,
        %parallel_loop3A_170 = arith.constant 1 : i32
        %parallel_loop3A_171 = arith.index_cast %parallel_loop3A_170 : i32 to index
        %parallel_loop3A_172 = arith.index_cast %parallel_loop3A_155 : i32 to index
        %parallel_loop3A_173 = tpu.vector_load %arg7[%parallel_loop3A_171, %parallel_loop3A_172] {strides = array<i32>} : memref<8x2048xf32, #tpu.memory_space<vmem>>, vector<1x16xf32>,
        %parallel_loop3A_174 = vector.shape_cast %parallel_loop3A_173 : vector<1x16xf32> to vector<16xf32>
        %parallel_loop3A_175 = arith.constant 45.2548332 : f32
        %parallel_loop3A_176 = vector.broadcast %parallel_loop3A_175 : f32 to vector<16xf32>
        %parallel_loop3A_177 = arith.mulf %parallel_loop3A_174, %parallel_loop3A_176 : vector<16xf32>
        %parallel_loop3A_178 = arith.constant 1 : i32
        %parallel_loop3A_179 = arith.index_cast %parallel_loop3A_178 : i32 to index
        %parallel_loop3A_180 = arith.index_cast %parallel_loop3A_155 : i32 to index
        %parallel_loop3A_181 = tpu.vector_load %arg7[%parallel_loop3A_179, %parallel_loop3A_180] {strides = array<i32>} : memref<8x2048xf32, #tpu.memory_space<vmem>>, vector<1x16xf32>,
        %parallel_loop3A_182 = vector.shape_cast %parallel_loop3A_181 : vector<1x16xf32> to vector<16xf32>
        %parallel_loop3A_183 = vector.shape_cast %parallel_loop3A_177 : vector<16xf32> to vector<1x16xf32>
        tpu.vector_store %arg7[%parallel_loop3A_179, %parallel_loop3A_180], %parallel_loop3A_183 {strides = array<i32>} : memref<8x2048xf32, #tpu.memory_space<vmem>>, vector<1x16xf32>,
        %parallel_loop3A_184 = arith.constant 2 : i32
        %parallel_loop3A_185 = arith.index_cast %parallel_loop3A_184 : i32 to index
        %parallel_loop3A_186 = arith.index_cast %parallel_loop3A_155 : i32 to index
        %parallel_loop3A_187 = tpu.vector_load %arg7[%parallel_loop3A_185, %parallel_loop3A_186] {strides = array<i32>} : memref<8x2048xf32, #tpu.memory_space<vmem>>, vector<1x16xf32>,
        %parallel_loop3A_188 = vector.shape_cast %parallel_loop3A_187 : vector<1x16xf32> to vector<16xf32>
        %parallel_loop3A_189 = arith.constant 45.2548332 : f32
        %parallel_loop3A_190 = vector.broadcast %parallel_loop3A_189 : f32 to vector<16xf32>
        %parallel_loop3A_191 = arith.mulf %parallel_loop3A_188, %parallel_loop3A_190 : vector<16xf32>
        %parallel_loop3A_192 = arith.constant 2 : i32
        %parallel_loop3A_193 = arith.index_cast %parallel_loop3A_192 : i32 to index
        %parallel_loop3A_194 = arith.index_cast %parallel_loop3A_155 : i32 to index
        %parallel_loop3A_195 = tpu.vector_load %arg7[%parallel_loop3A_193, %parallel_loop3A_194] {strides = array<i32>} : memref<8x2048xf32, #tpu.memory_space<vmem>>, vector<1x16xf32>,
        %parallel_loop3A_196 = vector.shape_cast %parallel_loop3A_195 : vector<1x16xf32> to vector<16xf32>
        %parallel_loop3A_197 = vector.shape_cast %parallel_loop3A_191 : vector<16xf32> to vector<1x16xf32>
        tpu.vector_store %arg7[%parallel_loop3A_193, %parallel_loop3A_194], %parallel_loop3A_197 {strides = array<i32>} : memref<8x2048xf32, #tpu.memory_space<vmem>>, vector<1x16xf32>,
        %parallel_loop3A_198 = arith.constant 3 : i32
        %parallel_loop3A_199 = arith.index_cast %parallel_loop3A_198 : i32 to index
        %parallel_loop3A_200 = arith.index_cast %parallel_loop3A_155 : i32 to index
        %parallel_loop3A_201 = tpu.vector_load %arg7[%parallel_loop3A_199, %parallel_loop3A_200] {strides = array<i32>} : memref<8x2048xf32, #tpu.memory_space<vmem>>, vector<1x16xf32>,
        %parallel_loop3A_202 = vector.shape_cast %parallel_loop3A_201 : vector<1x16xf32> to vector<16xf32>
        %parallel_loop3A_203 = arith.constant 45.2548332 : f32
        %parallel_loop3A_204 = vector.broadcast %parallel_loop3A_203 : f32 to vector<16xf32>
        %parallel_loop3A_205 = arith.mulf %parallel_loop3A_202, %parallel_loop3A_204 : vector<16xf32>
        %parallel_loop3A_206 = arith.constant 3 : i32
        %parallel_loop3A_207 = arith.index_cast %parallel_loop3A_206 : i32 to index
        %parallel_loop3A_208 = arith.index_cast %parallel_loop3A_155 : i32 to index
        %parallel_loop3A_209 = tpu.vector_load %arg7[%parallel_loop3A_207, %parallel_loop3A_208] {strides = array<i32>} : memref<8x2048xf32, #tpu.memory_space<vmem>>, vector<1x16xf32>,
        %parallel_loop3A_210 = vector.shape_cast %parallel_loop3A_209 : vector<1x16xf32> to vector<16xf32>
        %parallel_loop3A_211 = vector.shape_cast %parallel_loop3A_205 : vector<16xf32> to vector<1x16xf32>
        tpu.vector_store %arg7[%parallel_loop3A_207, %parallel_loop3A_208], %parallel_loop3A_211 {strides = array<i32>} : memref<8x2048xf32, #tpu.memory_space<vmem>>, vector<1x16xf32>,
        %parallel_loop3A_212 = arith.constant 4 : i32
        %parallel_loop3A_213 = arith.index_cast %parallel_loop3A_212 : i32 to index
        %parallel_loop3A_214 = arith.index_cast %parallel_loop3A_155 : i32 to index
        %parallel_loop3A_215 = tpu.vector_load %arg7[%parallel_loop3A_213, %parallel_loop3A_214] {strides = array<i32>} : memref<8x2048xf32, #tpu.memory_space<vmem>>, vector<1x16xf32>,
        %parallel_loop3A_216 = vector.shape_cast %parallel_loop3A_215 : vector<1x16xf32> to vector<16xf32>
        %parallel_loop3A_217 = arith.constant 45.2548332 : f32
        %parallel_loop3A_218 = vector.broadcast %parallel_loop3A_217 : f32 to vector<16xf32>
        %parallel_loop3A_219 = arith.mulf %parallel_loop3A_216, %parallel_loop3A_218 : vector<16xf32>
        %parallel_loop3A_220 = arith.constant 4 : i32
        %parallel_loop3A_221 = arith.index_cast %parallel_loop3A_220 : i32 to index
        %parallel_loop3A_222 = arith.index_cast %parallel_loop3A_155 : i32 to index
        %parallel_loop3A_223 = tpu.vector_load %arg7[%parallel_loop3A_221, %parallel_loop3A_222] {strides = array<i32>} : memref<8x2048xf32, #tpu.memory_space<vmem>>, vector<1x16xf32>,
        %parallel_loop3A_224 = vector.shape_cast %parallel_loop3A_223 : vector<1x16xf32> to vector<16xf32>
        %parallel_loop3A_225 = vector.shape_cast %parallel_loop3A_219 : vector<16xf32> to vector<1x16xf32>
        tpu.vector_store %arg7[%parallel_loop3A_221, %parallel_loop3A_222], %parallel_loop3A_225 {strides = array<i32>} : memref<8x2048xf32, #tpu.memory_space<vmem>>, vector<1x16xf32>,
        %parallel_loop3A_226 = arith.constant 5 : i32
        %parallel_loop3A_227 = arith.index_cast %parallel_loop3A_226 : i32 to index
        %parallel_loop3A_228 = arith.index_cast %parallel_loop3A_155 : i32 to index
        %parallel_loop3A_229 = tpu.vector_load %arg7[%parallel_loop3A_227, %parallel_loop3A_228] {strides = array<i32>} : memref<8x2048xf32, #tpu.memory_space<vmem>>, vector<1x16xf32>,
        %parallel_loop3A_230 = vector.shape_cast %parallel_loop3A_229 : vector<1x16xf32> to vector<16xf32>
        %parallel_loop3A_231 = arith.constant 45.2548332 : f32
        %parallel_loop3A_232 = vector.broadcast %parallel_loop3A_231 : f32 to vector<16xf32>
        %parallel_loop3A_233 = arith.mulf %parallel_loop3A_230, %parallel_loop3A_232 : vector<16xf32>
        %parallel_loop3A_234 = arith.constant 5 : i32
        %parallel_loop3A_235 = arith.index_cast %parallel_loop3A_234 : i32 to index
        %parallel_loop3A_236 = arith.index_cast %parallel_loop3A_155 : i32 to index
        %parallel_loop3A_237 = tpu.vector_load %arg7[%parallel_loop3A_235, %parallel_loop3A_236] {strides = array<i32>} : memref<8x2048xf32, #tpu.memory_space<vmem>>, vector<1x16xf32>,
        %parallel_loop3A_238 = vector.shape_cast %parallel_loop3A_237 : vector<1x16xf32> to vector<16xf32>
        %parallel_loop3A_239 = vector.shape_cast %parallel_loop3A_233 : vector<16xf32> to vector<1x16xf32>
        tpu.vector_store %arg7[%parallel_loop3A_235, %parallel_loop3A_236], %parallel_loop3A_239 {strides = array<i32>} : memref<8x2048xf32, #tpu.memory_space<vmem>>, vector<1x16xf32>,
        %parallel_loop3A_240 = arith.constant 6 : i32
        %parallel_loop3A_241 = arith.index_cast %parallel_loop3A_240 : i32 to index
        %parallel_loop3A_242 = arith.index_cast %parallel_loop3A_155 : i32 to index
        %parallel_loop3A_243 = tpu.vector_load %arg7[%parallel_loop3A_241, %parallel_loop3A_242] {strides = array<i32>} : memref<8x2048xf32, #tpu.memory_space<vmem>>, vector<1x16xf32>,
        %parallel_loop3A_244 = vector.shape_cast %parallel_loop3A_243 : vector<1x16xf32> to vector<16xf32>
        %parallel_loop3A_245 = arith.constant 45.2548332 : f32
        %parallel_loop3A_246 = vector.broadcast %parallel_loop3A_245 : f32 to vector<16xf32>
        %parallel_loop3A_247 = arith.mulf %parallel_loop3A_244, %parallel_loop3A_246 : vector<16xf32>
        %parallel_loop3A_248 = arith.constant 6 : i32
        %parallel_loop3A_249 = arith.index_cast %parallel_loop3A_248 : i32 to index
        %parallel_loop3A_250 = arith.index_cast %parallel_loop3A_155 : i32 to index
        %parallel_loop3A_251 = tpu.vector_load %arg7[%parallel_loop3A_249, %parallel_loop3A_250] {strides = array<i32>} : memref<8x2048xf32, #tpu.memory_space<vmem>>, vector<1x16xf32>,
        %parallel_loop3A_252 = vector.shape_cast %parallel_loop3A_251 : vector<1x16xf32> to vector<16xf32>
        %parallel_loop3A_253 = vector.shape_cast %parallel_loop3A_247 : vector<16xf32> to vector<1x16xf32>
        tpu.vector_store %arg7[%parallel_loop3A_249, %parallel_loop3A_250], %parallel_loop3A_253 {strides = array<i32>} : memref<8x2048xf32, #tpu.memory_space<vmem>>, vector<1x16xf32>,
        %parallel_loop3A_254 = arith.constant 7 : i32
        %parallel_loop3A_255 = arith.index_cast %parallel_loop3A_254 : i32 to index
        %parallel_loop3A_256 = arith.index_cast %parallel_loop3A_155 : i32 to index
        %parallel_loop3A_257 = tpu.vector_load %arg7[%parallel_loop3A_255, %parallel_loop3A_256] {strides = array<i32>} : memref<8x2048xf32, #tpu.memory_space<vmem>>, vector<1x16xf32>,
        %parallel_loop3A_258 = vector.shape_cast %parallel_loop3A_257 : vector<1x16xf32> to vector<16xf32>
        %parallel_loop3A_259 = arith.constant 45.2548332 : f32
        %parallel_loop3A_260 = vector.broadcast %parallel_loop3A_259 : f32 to vector<16xf32>
        %parallel_loop3A_261 = arith.mulf %parallel_loop3A_258, %parallel_loop3A_260 : vector<16xf32>
        %parallel_loop3A_262 = arith.constant 7 : i32
        %parallel_loop3A_263 = arith.index_cast %parallel_loop3A_262 : i32 to index
        %parallel_loop3A_264 = arith.index_cast %parallel_loop3A_155 : i32 to index
        %parallel_loop3A_265 = tpu.vector_load %arg7[%parallel_loop3A_263, %parallel_loop3A_264] {strides = array<i32>} : memref<8x2048xf32, #tpu.memory_space<vmem>>, vector<1x16xf32>,
        %parallel_loop3A_266 = vector.shape_cast %parallel_loop3A_265 : vector<1x16xf32> to vector<16xf32>
        %parallel_loop3A_267 = vector.shape_cast %parallel_loop3A_261 : vector<16xf32> to vector<1x16xf32>
        tpu.vector_store %arg7[%parallel_loop3A_263, %parallel_loop3A_264], %parallel_loop3A_267 {strides = array<i32>} : memref<8x2048xf32, #tpu.memory_space<vmem>>, vector<1x16xf32>,
      } {sc.loop_unroll_factor = 8 : i64, sc.parallel_access}
      %mul3A_90 = arith.constant 8 : i32
      %mul3A_91 = arith.muli %add3A_72, %mul3A_90 : i32
      %add3A_92 = arith.addi %mul3A_2, %mul3A_91 : i32
      %multiple_of3A_93 = tpu.assume_multiple %add3A_92, 8 : i32
      %dma_start3A_94 = arith.constant 0 : i32
      %dma_start3A_95 = tpu.memref_slice %arg4[%multiple_of3A_93, %dma_start3A_94] : memref<32768x2048xf32, #tpu.memory_space<hbm>> -> memref<8x2048xf32, #tpu.memory_space<hbm>>
      %dma_start3A_96 = arith.constant 0 : i32
      %dma_start3A_97 = tpu.memref_slice %arg4[%multiple_of3A_93, %dma_start3A_96] : memref<32768x2048xf32, #tpu.memory_space<hbm>> -> memref<8x2048xf32, #tpu.memory_space<hbm>>
      tpu.enqueue_dma source(%arg7 : memref<8x2048xf32, #tpu.memory_space<vmem>>) target(%dma_start3A_97 : memref<8x2048xf32, #tpu.memory_space<hbm>>) target_semaphore(%arg15 : memref<!tpu.dma_semaphore, #tpu.memory_space<semaphore_mem>>)
      %add3A_98 = arith.constant 2 : i32
      %add3A_99 = arith.addi %mul3A_47, %add3A_98 : i32
      %add3A_100 = arith.constant 2 : i32
      %add3A_101 = arith.addi %add3A_99, %add3A_100 : i32
      %lt3A_102 = arith.constant 128 : i32
      %lt3A_103 = arith.cmpi slt, %add3A_101, %lt3A_102 : i32
      %convert_element_type3A_104 = arith.extui %lt3A_103 : i1 to i32
      %cond3A_105 = arith.constant 0 : i32
      %cond3A_106 = arith.cmpi ne, %convert_element_type3A_104, %cond3A_105 : i32
      scf.if %cond3A_106 {
        %ge3A = arith.constant 4 : i32
        %ge3A_152 = arith.cmpi sge, %add3A_101, %ge3A : i32
        %convert_element_type3A_153 = arith.extui %ge3A_152 : i1 to i32
        %cond3A_154 = arith.constant 0 : i32
        %cond3A_155 = arith.cmpi ne, %convert_element_type3A_153, %cond3A_154 : i32
        scf.if %cond3A_155 {
          %sub3A = arith.constant 4 : i32
          %sub3A_163 = arith.subi %add3A_101, %sub3A : i32
          %mul3A_164 = arith.constant 8 : i32
          %mul3A_165 = arith.muli %sub3A_163, %mul3A_164 : i32
          %add3A_166 = arith.addi %mul3A_2, %mul3A_165 : i32
          %multiple_of3A_167 = tpu.assume_multiple %add3A_166, 8 : i32
          %dma_wait3A_168 = arith.constant 0 : i32
          %dma_wait3A_169 = tpu.memref_slice %arg4[%multiple_of3A_167, %dma_wait3A_168] : memref<32768x2048xf32, #tpu.memory_space<hbm>> -> memref<8x2048xf32, #tpu.memory_space<hbm>>
          %dma_wait3A_170 = arith.constant 0 : i32
          %dma_wait3A_171 = tpu.memref_slice %arg4[%multiple_of3A_167, %dma_wait3A_170] : memref<32768x2048xf32, #tpu.memory_space<hbm>> -> memref<8x2048xf32, #tpu.memory_space<hbm>>
          tpu.wait_dma2 semaphore(%arg14 : memref<!tpu.dma_semaphore, #tpu.memory_space<semaphore_mem>>) src(%arg6 : memref<8x2048xf32, #tpu.memory_space<vmem>>) dst(%dma_wait3A_171 : memref<8x2048xf32, #tpu.memory_space<hbm>>)
        } else {
        }
        %mul3A_156 = arith.constant 8 : i32
        %mul3A_157 = arith.muli %add3A_101, %mul3A_156 : i32
        %multiple_of3A_158 = tpu.assume_multiple %mul3A_157, 8 : i32
        %dma_start3A_159 = tpu.memref_slice %arg5[%multiple_of3A_158] : memref<1024xi32, #tpu.memory_space<vmem>> -> memref<8xi32, #tpu.memory_space<vmem>>
        %dma_start3A_160 = arith.constant 0 : i32
        %dma_start3A_161 = arith.constant 0 : i32
        %dma_start3A_162 = tpu.memref_slice %arg3[%dma_start3A_160, %dma_start3A_161] : memref<100000x2048xf32, #tpu.memory_space<hbm>> -> memref<100000x2048xf32, #tpu.memory_space<hbm>>
        tpu.enqueue_indirect_dma source(%dma_start3A_162 : memref<100000x2048xf32, #tpu.memory_space<hbm>>) target(%arg6 : memref<8x2048xf32, #tpu.memory_space<vmem>>) offsets(%dma_start3A_159 : memref<8xi32, #tpu.memory_space<vmem>>) semaphore(%arg10 : memref<!tpu.dma_semaphore, #tpu.memory_space<semaphore_mem>>)
      } else {
      }
      %mul3A_107 = arith.constant 8 : i32
      %mul3A_108 = arith.muli %add3A_99, %mul3A_107 : i32
      %multiple_of3A_109 = tpu.assume_multiple %mul3A_108, 8 : i32
      %dma_wait3A_110 = tpu.memref_slice %arg5[%multiple_of3A_109] : memref<1024xi32, #tpu.memory_space<vmem>> -> memref<8xi32, #tpu.memory_space<vmem>>
      %dma_wait3A_111 = arith.constant 0 : i32
      %dma_wait3A_112 = arith.constant 0 : i32
      %dma_wait3A_113 = tpu.memref_slice %arg3[%dma_wait3A_111, %dma_wait3A_112] : memref<100000x2048xf32, #tpu.memory_space<hbm>> -> memref<100000x2048xf32, #tpu.memory_space<hbm>>
      tpu.wait_indirect_dma semaphore(%arg12 : memref<!tpu.dma_semaphore, #tpu.memory_space<semaphore_mem>>) src(%dma_wait3A_113 : memref<100000x2048xf32, #tpu.memory_space<hbm>>) dst(%arg8 : memref<8x2048xf32, #tpu.memory_space<vmem>>)
      %parallel_loop3A_114 = arith.constant 0 : i32
      %parallel_loop3A_115 = arith.constant 128 : i32
      %parallel_loop3A_116 = arith.constant 1 : i32
      scf.for %parallel_loop3A_152 = %parallel_loop3A_114 to %parallel_loop3A_115 step %parallel_loop3A_116  : i32 {
        %parallel_loop3A_153 = arith.constant 4 : i32
        %parallel_loop3A_154 = arith.shli %parallel_loop3A_152, %parallel_loop3A_153 : i32
        %parallel_loop3A_155 = tpu.assume_multiple %parallel_loop3A_154, 16 : i32
        %parallel_loop3A_156 = arith.constant 0 : i32
        %parallel_loop3A_157 = arith.index_cast %parallel_loop3A_156 : i32 to index
        %parallel_loop3A_158 = arith.index_cast %parallel_loop3A_155 : i32 to index
        %parallel_loop3A_159 = tpu.vector_load %arg8[%parallel_loop3A_157, %parallel_loop3A_158] {strides = array<i32>} : memref<8x2048xf32, #tpu.memory_space<vmem>>, vector<1x16xf32>,
        %parallel_loop3A_160 = vector.shape_cast %parallel_loop3A_159 : vector<1x16xf32> to vector<16xf32>
        %parallel_loop3A_161 = arith.constant 45.2548332 : f32
        %parallel_loop3A_162 = vector.broadcast %parallel_loop3A_161 : f32 to vector<16xf32>
        %parallel_loop3A_163 = arith.mulf %parallel_loop3A_160, %parallel_loop3A_162 : vector<16xf32>
        %parallel_loop3A_164 = arith.constant 0 : i32
        %parallel_loop3A_165 = arith.index_cast %parallel_loop3A_164 : i32 to index
        %parallel_loop3A_166 = arith.index_cast %parallel_loop3A_155 : i32 to index
        %parallel_loop3A_167 = tpu.vector_load %arg8[%parallel_loop3A_165, %parallel_loop3A_166] {strides = array<i32>} : memref<8x2048xf32, #tpu.memory_space<vmem>>, vector<1x16xf32>,
        %parallel_loop3A_168 = vector.shape_cast %parallel_loop3A_167 : vector<1x16xf32> to vector<16xf32>
        %parallel_loop3A_169 = vector.shape_cast %parallel_loop3A_163 : vector<16xf32> to vector<1x16xf32>
        tpu.vector_store %arg8[%parallel_loop3A_165, %parallel_loop3A_166], %parallel_loop3A_169 {strides = array<i32>} : memref<8x2048xf32, #tpu.memory_space<vmem>>, vector<1x16xf32>,
        %parallel_loop3A_170 = arith.constant 1 : i32
        %parallel_loop3A_171 = arith.index_cast %parallel_loop3A_170 : i32 to index
        %parallel_loop3A_172 = arith.index_cast %parallel_loop3A_155 : i32 to index
        %parallel_loop3A_173 = tpu.vector_load %arg8[%parallel_loop3A_171, %parallel_loop3A_172] {strides = array<i32>} : memref<8x2048xf32, #tpu.memory_space<vmem>>, vector<1x16xf32>,
        %parallel_loop3A_174 = vector.shape_cast %parallel_loop3A_173 : vector<1x16xf32> to vector<16xf32>
        %parallel_loop3A_175 = arith.constant 45.2548332 : f32
        %parallel_loop3A_176 = vector.broadcast %parallel_loop3A_175 : f32 to vector<16xf32>
        %parallel_loop3A_177 = arith.mulf %parallel_loop3A_174, %parallel_loop3A_176 : vector<16xf32>
        %parallel_loop3A_178 = arith.constant 1 : i32
        %parallel_loop3A_179 = arith.index_cast %parallel_loop3A_178 : i32 to index
        %parallel_loop3A_180 = arith.index_cast %parallel_loop3A_155 : i32 to index
        %parallel_loop3A_181 = tpu.vector_load %arg8[%parallel_loop3A_179, %parallel_loop3A_180] {strides = array<i32>} : memref<8x2048xf32, #tpu.memory_space<vmem>>, vector<1x16xf32>,
        %parallel_loop3A_182 = vector.shape_cast %parallel_loop3A_181 : vector<1x16xf32> to vector<16xf32>
        %parallel_loop3A_183 = vector.shape_cast %parallel_loop3A_177 : vector<16xf32> to vector<1x16xf32>
        tpu.vector_store %arg8[%parallel_loop3A_179, %parallel_loop3A_180], %parallel_loop3A_183 {strides = array<i32>} : memref<8x2048xf32, #tpu.memory_space<vmem>>, vector<1x16xf32>,
        %parallel_loop3A_184 = arith.constant 2 : i32
        %parallel_loop3A_185 = arith.index_cast %parallel_loop3A_184 : i32 to index
        %parallel_loop3A_186 = arith.index_cast %parallel_loop3A_155 : i32 to index
        %parallel_loop3A_187 = tpu.vector_load %arg8[%parallel_loop3A_185, %parallel_loop3A_186] {strides = array<i32>} : memref<8x2048xf32, #tpu.memory_space<vmem>>, vector<1x16xf32>,
        %parallel_loop3A_188 = vector.shape_cast %parallel_loop3A_187 : vector<1x16xf32> to vector<16xf32>
        %parallel_loop3A_189 = arith.constant 45.2548332 : f32
        %parallel_loop3A_190 = vector.broadcast %parallel_loop3A_189 : f32 to vector<16xf32>
        %parallel_loop3A_191 = arith.mulf %parallel_loop3A_188, %parallel_loop3A_190 : vector<16xf32>
        %parallel_loop3A_192 = arith.constant 2 : i32
        %parallel_loop3A_193 = arith.index_cast %parallel_loop3A_192 : i32 to index
        %parallel_loop3A_194 = arith.index_cast %parallel_loop3A_155 : i32 to index
        %parallel_loop3A_195 = tpu.vector_load %arg8[%parallel_loop3A_193, %parallel_loop3A_194] {strides = array<i32>} : memref<8x2048xf32, #tpu.memory_space<vmem>>, vector<1x16xf32>,
        %parallel_loop3A_196 = vector.shape_cast %parallel_loop3A_195 : vector<1x16xf32> to vector<16xf32>
        %parallel_loop3A_197 = vector.shape_cast %parallel_loop3A_191 : vector<16xf32> to vector<1x16xf32>
        tpu.vector_store %arg8[%parallel_loop3A_193, %parallel_loop3A_194], %parallel_loop3A_197 {strides = array<i32>} : memref<8x2048xf32, #tpu.memory_space<vmem>>, vector<1x16xf32>,
        %parallel_loop3A_198 = arith.constant 3 : i32
        %parallel_loop3A_199 = arith.index_cast %parallel_loop3A_198 : i32 to index
        %parallel_loop3A_200 = arith.index_cast %parallel_loop3A_155 : i32 to index
        %parallel_loop3A_201 = tpu.vector_load %arg8[%parallel_loop3A_199, %parallel_loop3A_200] {strides = array<i32>} : memref<8x2048xf32, #tpu.memory_space<vmem>>, vector<1x16xf32>,
        %parallel_loop3A_202 = vector.shape_cast %parallel_loop3A_201 : vector<1x16xf32> to vector<16xf32>
        %parallel_loop3A_203 = arith.constant 45.2548332 : f32
        %parallel_loop3A_204 = vector.broadcast %parallel_loop3A_203 : f32 to vector<16xf32>
        %parallel_loop3A_205 = arith.mulf %parallel_loop3A_202, %parallel_loop3A_204 : vector<16xf32>
        %parallel_loop3A_206 = arith.constant 3 : i32
        %parallel_loop3A_207 = arith.index_cast %parallel_loop3A_206 : i32 to index
        %parallel_loop3A_208 = arith.index_cast %parallel_loop3A_155 : i32 to index
        %parallel_loop3A_209 = tpu.vector_load %arg8[%parallel_loop3A_207, %parallel_loop3A_208] {strides = array<i32>} : memref<8x2048xf32, #tpu.memory_space<vmem>>, vector<1x16xf32>,
        %parallel_loop3A_210 = vector.shape_cast %parallel_loop3A_209 : vector<1x16xf32> to vector<16xf32>
        %parallel_loop3A_211 = vector.shape_cast %parallel_loop3A_205 : vector<16xf32> to vector<1x16xf32>
        tpu.vector_store %arg8[%parallel_loop3A_207, %parallel_loop3A_208], %parallel_loop3A_211 {strides = array<i32>} : memref<8x2048xf32, #tpu.memory_space<vmem>>, vector<1x16xf32>,
        %parallel_loop3A_212 = arith.constant 4 : i32
        %parallel_loop3A_213 = arith.index_cast %parallel_loop3A_212 : i32 to index
        %parallel_loop3A_214 = arith.index_cast %parallel_loop3A_155 : i32 to index
        %parallel_loop3A_215 = tpu.vector_load %arg8[%parallel_loop3A_213, %parallel_loop3A_214] {strides = array<i32>} : memref<8x2048xf32, #tpu.memory_space<vmem>>, vector<1x16xf32>,
        %parallel_loop3A_216 = vector.shape_cast %parallel_loop3A_215 : vector<1x16xf32> to vector<16xf32>
        %parallel_loop3A_217 = arith.constant 45.2548332 : f32
        %parallel_loop3A_218 = vector.broadcast %parallel_loop3A_217 : f32 to vector<16xf32>
        %parallel_loop3A_219 = arith.mulf %parallel_loop3A_216, %parallel_loop3A_218 : vector<16xf32>
        %parallel_loop3A_220 = arith.constant 4 : i32
        %parallel_loop3A_221 = arith.index_cast %parallel_loop3A_220 : i32 to index
        %parallel_loop3A_222 = arith.index_cast %parallel_loop3A_155 : i32 to index
        %parallel_loop3A_223 = tpu.vector_load %arg8[%parallel_loop3A_221, %parallel_loop3A_222] {strides = array<i32>} : memref<8x2048xf32, #tpu.memory_space<vmem>>, vector<1x16xf32>,
        %parallel_loop3A_224 = vector.shape_cast %parallel_loop3A_223 : vector<1x16xf32> to vector<16xf32>
        %parallel_loop3A_225 = vector.shape_cast %parallel_loop3A_219 : vector<16xf32> to vector<1x16xf32>
        tpu.vector_store %arg8[%parallel_loop3A_221, %parallel_loop3A_222], %parallel_loop3A_225 {strides = array<i32>} : memref<8x2048xf32, #tpu.memory_space<vmem>>, vector<1x16xf32>,
        %parallel_loop3A_226 = arith.constant 5 : i32
        %parallel_loop3A_227 = arith.index_cast %parallel_loop3A_226 : i32 to index
        %parallel_loop3A_228 = arith.index_cast %parallel_loop3A_155 : i32 to index
        %parallel_loop3A_229 = tpu.vector_load %arg8[%parallel_loop3A_227, %parallel_loop3A_228] {strides = array<i32>} : memref<8x2048xf32, #tpu.memory_space<vmem>>, vector<1x16xf32>,
        %parallel_loop3A_230 = vector.shape_cast %parallel_loop3A_229 : vector<1x16xf32> to vector<16xf32>
        %parallel_loop3A_231 = arith.constant 45.2548332 : f32
        %parallel_loop3A_232 = vector.broadcast %parallel_loop3A_231 : f32 to vector<16xf32>
        %parallel_loop3A_233 = arith.mulf %parallel_loop3A_230, %parallel_loop3A_232 : vector<16xf32>
        %parallel_loop3A_234 = arith.constant 5 : i32
        %parallel_loop3A_235 = arith.index_cast %parallel_loop3A_234 : i32 to index
        %parallel_loop3A_236 = arith.index_cast %parallel_loop3A_155 : i32 to index
        %parallel_loop3A_237 = tpu.vector_load %arg8[%parallel_loop3A_235, %parallel_loop3A_236] {strides = array<i32>} : memref<8x2048xf32, #tpu.memory_space<vmem>>, vector<1x16xf32>,
        %parallel_loop3A_238 = vector.shape_cast %parallel_loop3A_237 : vector<1x16xf32> to vector<16xf32>
        %parallel_loop3A_239 = vector.shape_cast %parallel_loop3A_233 : vector<16xf32> to vector<1x16xf32>
        tpu.vector_store %arg8[%parallel_loop3A_235, %parallel_loop3A_236], %parallel_loop3A_239 {strides = array<i32>} : memref<8x2048xf32, #tpu.memory_space<vmem>>, vector<1x16xf32>,
        %parallel_loop3A_240 = arith.constant 6 : i32
        %parallel_loop3A_241 = arith.index_cast %parallel_loop3A_240 : i32 to index
        %parallel_loop3A_242 = arith.index_cast %parallel_loop3A_155 : i32 to index
        %parallel_loop3A_243 = tpu.vector_load %arg8[%parallel_loop3A_241, %parallel_loop3A_242] {strides = array<i32>} : memref<8x2048xf32, #tpu.memory_space<vmem>>, vector<1x16xf32>,
        %parallel_loop3A_244 = vector.shape_cast %parallel_loop3A_243 : vector<1x16xf32> to vector<16xf32>
        %parallel_loop3A_245 = arith.constant 45.2548332 : f32
        %parallel_loop3A_246 = vector.broadcast %parallel_loop3A_245 : f32 to vector<16xf32>
        %parallel_loop3A_247 = arith.mulf %parallel_loop3A_244, %parallel_loop3A_246 : vector<16xf32>
        %parallel_loop3A_248 = arith.constant 6 : i32
        %parallel_loop3A_249 = arith.index_cast %parallel_loop3A_248 : i32 to index
        %parallel_loop3A_250 = arith.index_cast %parallel_loop3A_155 : i32 to index
        %parallel_loop3A_251 = tpu.vector_load %arg8[%parallel_loop3A_249, %parallel_loop3A_250] {strides = array<i32>} : memref<8x2048xf32, #tpu.memory_space<vmem>>, vector<1x16xf32>,
        %parallel_loop3A_252 = vector.shape_cast %parallel_loop3A_251 : vector<1x16xf32> to vector<16xf32>
        %parallel_loop3A_253 = vector.shape_cast %parallel_loop3A_247 : vector<16xf32> to vector<1x16xf32>
        tpu.vector_store %arg8[%parallel_loop3A_249, %parallel_loop3A_250], %parallel_loop3A_253 {strides = array<i32>} : memref<8x2048xf32, #tpu.memory_space<vmem>>, vector<1x16xf32>,
        %parallel_loop3A_254 = arith.constant 7 : i32
        %parallel_loop3A_255 = arith.index_cast %parallel_loop3A_254 : i32 to index
        %parallel_loop3A_256 = arith.index_cast %parallel_loop3A_155 : i32 to index
        %parallel_loop3A_257 = tpu.vector_load %arg8[%parallel_loop3A_255, %parallel_loop3A_256] {strides = array<i32>} : memref<8x2048xf32, #tpu.memory_space<vmem>>, vector<1x16xf32>,
        %parallel_loop3A_258 = vector.shape_cast %parallel_loop3A_257 : vector<1x16xf32> to vector<16xf32>
        %parallel_loop3A_259 = arith.constant 45.2548332 : f32
        %parallel_loop3A_260 = vector.broadcast %parallel_loop3A_259 : f32 to vector<16xf32>
        %parallel_loop3A_261 = arith.mulf %parallel_loop3A_258, %parallel_loop3A_260 : vector<16xf32>
        %parallel_loop3A_262 = arith.constant 7 : i32
        %parallel_loop3A_263 = arith.index_cast %parallel_loop3A_262 : i32 to index
        %parallel_loop3A_264 = arith.index_cast %parallel_loop3A_155 : i32 to index
        %parallel_loop3A_265 = tpu.vector_load %arg8[%parallel_loop3A_263, %parallel_loop3A_264] {strides = array<i32>} : memref<8x2048xf32, #tpu.memory_space<vmem>>, vector<1x16xf32>,
        %parallel_loop3A_266 = vector.shape_cast %parallel_loop3A_265 : vector<1x16xf32> to vector<16xf32>
        %parallel_loop3A_267 = vector.shape_cast %parallel_loop3A_261 : vector<16xf32> to vector<1x16xf32>
        tpu.vector_store %arg8[%parallel_loop3A_263, %parallel_loop3A_264], %parallel_loop3A_267 {strides = array<i32>} : memref<8x2048xf32, #tpu.memory_space<vmem>>, vector<1x16xf32>,
      } {sc.loop_unroll_factor = 8 : i64, sc.parallel_access}
      %mul3A_117 = arith.constant 8 : i32
      %mul3A_118 = arith.muli %add3A_99, %mul3A_117 : i32
      %add3A_119 = arith.addi %mul3A_2, %mul3A_118 : i32
      %multiple_of3A_120 = tpu.assume_multiple %add3A_119, 8 : i32
      %dma_start3A_121 = arith.constant 0 : i32
      %dma_start3A_122 = tpu.memref_slice %arg4[%multiple_of3A_120, %dma_start3A_121] : memref<32768x2048xf32, #tpu.memory_space<hbm>> -> memref<8x2048xf32, #tpu.memory_space<hbm>>
      %dma_start3A_123 = arith.constant 0 : i32
      %dma_start3A_124 = tpu.memref_slice %arg4[%multiple_of3A_120, %dma_start3A_123] : memref<32768x2048xf32, #tpu.memory_space<hbm>> -> memref<8x2048xf32, #tpu.memory_space<hbm>>
      tpu.enqueue_dma source(%arg8 : memref<8x2048xf32, #tpu.memory_space<vmem>>) target(%dma_start3A_124 : memref<8x2048xf32, #tpu.memory_space<hbm>>) target_semaphore(%arg16 : memref<!tpu.dma_semaphore, #tpu.memory_space<semaphore_mem>>)
      %add3A_125 = arith.constant 3 : i32
      %add3A_126 = arith.addi %mul3A_47, %add3A_125 : i32
      %add3A_127 = arith.constant 2 : i32
      %add3A_128 = arith.addi %add3A_126, %add3A_127 : i32
      %lt3A_129 = arith.constant 128 : i32
      %lt3A_130 = arith.cmpi slt, %add3A_128, %lt3A_129 : i32
      %convert_element_type3A_131 = arith.extui %lt3A_130 : i1 to i32
      %cond3A_132 = arith.constant 0 : i32
      %cond3A_133 = arith.cmpi ne, %convert_element_type3A_131, %cond3A_132 : i32
      scf.if %cond3A_133 {
        %ge3A = arith.constant 4 : i32
        %ge3A_152 = arith.cmpi sge, %add3A_128, %ge3A : i32
        %convert_element_type3A_153 = arith.extui %ge3A_152 : i1 to i32
        %cond3A_154 = arith.constant 0 : i32
        %cond3A_155 = arith.cmpi ne, %convert_element_type3A_153, %cond3A_154 : i32
        scf.if %cond3A_155 {
          %sub3A = arith.constant 4 : i32
          %sub3A_163 = arith.subi %add3A_128, %sub3A : i32
          %mul3A_164 = arith.constant 8 : i32
          %mul3A_165 = arith.muli %sub3A_163, %mul3A_164 : i32
          %add3A_166 = arith.addi %mul3A_2, %mul3A_165 : i32
          %multiple_of3A_167 = tpu.assume_multiple %add3A_166, 8 : i32
          %dma_wait3A_168 = arith.constant 0 : i32
          %dma_wait3A_169 = tpu.memref_slice %arg4[%multiple_of3A_167, %dma_wait3A_168] : memref<32768x2048xf32, #tpu.memory_space<hbm>> -> memref<8x2048xf32, #tpu.memory_space<hbm>>
          %dma_wait3A_170 = arith.constant 0 : i32
          %dma_wait3A_171 = tpu.memref_slice %arg4[%multiple_of3A_167, %dma_wait3A_170] : memref<32768x2048xf32, #tpu.memory_space<hbm>> -> memref<8x2048xf32, #tpu.memory_space<hbm>>
          tpu.wait_dma2 semaphore(%arg15 : memref<!tpu.dma_semaphore, #tpu.memory_space<semaphore_mem>>) src(%arg7 : memref<8x2048xf32, #tpu.memory_space<vmem>>) dst(%dma_wait3A_171 : memref<8x2048xf32, #tpu.memory_space<hbm>>)
        } else {
        }
        %mul3A_156 = arith.constant 8 : i32
        %mul3A_157 = arith.muli %add3A_128, %mul3A_156 : i32
        %multiple_of3A_158 = tpu.assume_multiple %mul3A_157, 8 : i32
        %dma_start3A_159 = tpu.memref_slice %arg5[%multiple_of3A_158] : memref<1024xi32, #tpu.memory_space<vmem>> -> memref<8xi32, #tpu.memory_space<vmem>>
        %dma_start3A_160 = arith.constant 0 : i32
        %dma_start3A_161 = arith.constant 0 : i32
        %dma_start3A_162 = tpu.memref_slice %arg3[%dma_start3A_160, %dma_start3A_161] : memref<100000x2048xf32, #tpu.memory_space<hbm>> -> memref<100000x2048xf32, #tpu.memory_space<hbm>>
        tpu.enqueue_indirect_dma source(%dma_start3A_162 : memref<100000x2048xf32, #tpu.memory_space<hbm>>) target(%arg7 : memref<8x2048xf32, #tpu.memory_space<vmem>>) offsets(%dma_start3A_159 : memref<8xi32, #tpu.memory_space<vmem>>) semaphore(%arg11 : memref<!tpu.dma_semaphore, #tpu.memory_space<semaphore_mem>>)
      } else {
      }
      %mul3A_134 = arith.constant 8 : i32
      %mul3A_135 = arith.muli %add3A_126, %mul3A_134 : i32
      %multiple_of3A_136 = tpu.assume_multiple %mul3A_135, 8 : i32
      %dma_wait3A_137 = tpu.memref_slice %arg5[%multiple_of3A_136] : memref<1024xi32, #tpu.memory_space<vmem>> -> memref<8xi32, #tpu.memory_space<vmem>>
      %dma_wait3A_138 = arith.constant 0 : i32
      %dma_wait3A_139 = arith.constant 0 : i32
      %dma_wait3A_140 = tpu.memref_slice %arg3[%dma_wait3A_138, %dma_wait3A_139] : memref<100000x2048xf32, #tpu.memory_space<hbm>> -> memref<100000x2048xf32, #tpu.memory_space<hbm>>
      tpu.wait_indirect_dma semaphore(%arg13 : memref<!tpu.dma_semaphore, #tpu.memory_space<semaphore_mem>>) src(%dma_wait3A_140 : memref<100000x2048xf32, #tpu.memory_space<hbm>>) dst(%arg9 : memref<8x2048xf32, #tpu.memory_space<vmem>>)
      %parallel_loop3A_141 = arith.constant 0 : i32
      %parallel_loop3A_142 = arith.constant 128 : i32
      %parallel_loop3A_143 = arith.constant 1 : i32
      scf.for %parallel_loop3A_152 = %parallel_loop3A_141 to %parallel_loop3A_142 step %parallel_loop3A_143  : i32 {
        %parallel_loop3A_153 = arith.constant 4 : i32
        %parallel_loop3A_154 = arith.shli %parallel_loop3A_152, %parallel_loop3A_153 : i32
        %parallel_loop3A_155 = tpu.assume_multiple %parallel_loop3A_154, 16 : i32
        %parallel_loop3A_156 = arith.constant 0 : i32
        %parallel_loop3A_157 = arith.index_cast %parallel_loop3A_156 : i32 to index
        %parallel_loop3A_158 = arith.index_cast %parallel_loop3A_155 : i32 to index
        %parallel_loop3A_159 = tpu.vector_load %arg9[%parallel_loop3A_157, %parallel_loop3A_158] {strides = array<i32>} : memref<8x2048xf32, #tpu.memory_space<vmem>>, vector<1x16xf32>,
        %parallel_loop3A_160 = vector.shape_cast %parallel_loop3A_159 : vector<1x16xf32> to vector<16xf32>
        %parallel_loop3A_161 = arith.constant 45.2548332 : f32
        %parallel_loop3A_162 = vector.broadcast %parallel_loop3A_161 : f32 to vector<16xf32>
        %parallel_loop3A_163 = arith.mulf %parallel_loop3A_160, %parallel_loop3A_162 : vector<16xf32>
        %parallel_loop3A_164 = arith.constant 0 : i32
        %parallel_loop3A_165 = arith.index_cast %parallel_loop3A_164 : i32 to index
        %parallel_loop3A_166 = arith.index_cast %parallel_loop3A_155 : i32 to index
        %parallel_loop3A_167 = tpu.vector_load %arg9[%parallel_loop3A_165, %parallel_loop3A_166] {strides = array<i32>} : memref<8x2048xf32, #tpu.memory_space<vmem>>, vector<1x16xf32>,
        %parallel_loop3A_168 = vector.shape_cast %parallel_loop3A_167 : vector<1x16xf32> to vector<16xf32>
        %parallel_loop3A_169 = vector.shape_cast %parallel_loop3A_163 : vector<16xf32> to vector<1x16xf32>
        tpu.vector_store %arg9[%parallel_loop3A_165, %parallel_loop3A_166], %parallel_loop3A_169 {strides = array<i32>} : memref<8x2048xf32, #tpu.memory_space<vmem>>, vector<1x16xf32>,
        %parallel_loop3A_170 = arith.constant 1 : i32
        %parallel_loop3A_171 = arith.index_cast %parallel_loop3A_170 : i32 to index
        %parallel_loop3A_172 = arith.index_cast %parallel_loop3A_155 : i32 to index
        %parallel_loop3A_173 = tpu.vector_load %arg9[%parallel_loop3A_171, %parallel_loop3A_172] {strides = array<i32>} : memref<8x2048xf32, #tpu.memory_space<vmem>>, vector<1x16xf32>,
        %parallel_loop3A_174 = vector.shape_cast %parallel_loop3A_173 : vector<1x16xf32> to vector<16xf32>
        %parallel_loop3A_175 = arith.constant 45.2548332 : f32
        %parallel_loop3A_176 = vector.broadcast %parallel_loop3A_175 : f32 to vector<16xf32>
        %parallel_loop3A_177 = arith.mulf %parallel_loop3A_174, %parallel_loop3A_176 : vector<16xf32>
        %parallel_loop3A_178 = arith.constant 1 : i32
        %parallel_loop3A_179 = arith.index_cast %parallel_loop3A_178 : i32 to index
        %parallel_loop3A_180 = arith.index_cast %parallel_loop3A_155 : i32 to index
        %parallel_loop3A_181 = tpu.vector_load %arg9[%parallel_loop3A_179, %parallel_loop3A_180] {strides = array<i32>} : memref<8x2048xf32, #tpu.memory_space<vmem>>, vector<1x16xf32>,
        %parallel_loop3A_182 = vector.shape_cast %parallel_loop3A_181 : vector<1x16xf32> to vector<16xf32>
        %parallel_loop3A_183 = vector.shape_cast %parallel_loop3A_177 : vector<16xf32> to vector<1x16xf32>
        tpu.vector_store %arg9[%parallel_loop3A_179, %parallel_loop3A_180], %parallel_loop3A_183 {strides = array<i32>} : memref<8x2048xf32, #tpu.memory_space<vmem>>, vector<1x16xf32>,
        %parallel_loop3A_184 = arith.constant 2 : i32
        %parallel_loop3A_185 = arith.index_cast %parallel_loop3A_184 : i32 to index
        %parallel_loop3A_186 = arith.index_cast %parallel_loop3A_155 : i32 to index
        %parallel_loop3A_187 = tpu.vector_load %arg9[%parallel_loop3A_185, %parallel_loop3A_186] {strides = array<i32>} : memref<8x2048xf32, #tpu.memory_space<vmem>>, vector<1x16xf32>,
        %parallel_loop3A_188 = vector.shape_cast %parallel_loop3A_187 : vector<1x16xf32> to vector<16xf32>
        %parallel_loop3A_189 = arith.constant 45.2548332 : f32
        %parallel_loop3A_190 = vector.broadcast %parallel_loop3A_189 : f32 to vector<16xf32>
        %parallel_loop3A_191 = arith.mulf %parallel_loop3A_188, %parallel_loop3A_190 : vector<16xf32>
        %parallel_loop3A_192 = arith.constant 2 : i32
        %parallel_loop3A_193 = arith.index_cast %parallel_loop3A_192 : i32 to index
        %parallel_loop3A_194 = arith.index_cast %parallel_loop3A_155 : i32 to index
        %parallel_loop3A_195 = tpu.vector_load %arg9[%parallel_loop3A_193, %parallel_loop3A_194] {strides = array<i32>} : memref<8x2048xf32, #tpu.memory_space<vmem>>, vector<1x16xf32>,
        %parallel_loop3A_196 = vector.shape_cast %parallel_loop3A_195 : vector<1x16xf32> to vector<16xf32>
        %parallel_loop3A_197 = vector.shape_cast %parallel_loop3A_191 : vector<16xf32> to vector<1x16xf32>
        tpu.vector_store %arg9[%parallel_loop3A_193, %parallel_loop3A_194], %parallel_loop3A_197 {strides = array<i32>} : memref<8x2048xf32, #tpu.memory_space<vmem>>, vector<1x16xf32>,
        %parallel_loop3A_198 = arith.constant 3 : i32
        %parallel_loop3A_199 = arith.index_cast %parallel_loop3A_198 : i32 to index
        %parallel_loop3A_200 = arith.index_cast %parallel_loop3A_155 : i32 to index
        %parallel_loop3A_201 = tpu.vector_load %arg9[%parallel_loop3A_199, %parallel_loop3A_200] {strides = array<i32>} : memref<8x2048xf32, #tpu.memory_space<vmem>>, vector<1x16xf32>,
        %parallel_loop3A_202 = vector.shape_cast %parallel_loop3A_201 : vector<1x16xf32> to vector<16xf32>
        %parallel_loop3A_203 = arith.constant 45.2548332 : f32
        %parallel_loop3A_204 = vector.broadcast %parallel_loop3A_203 : f32 to vector<16xf32>
        %parallel_loop3A_205 = arith.mulf %parallel_loop3A_202, %parallel_loop3A_204 : vector<16xf32>
        %parallel_loop3A_206 = arith.constant 3 : i32
        %parallel_loop3A_207 = arith.index_cast %parallel_loop3A_206 : i32 to index
        %parallel_loop3A_208 = arith.index_cast %parallel_loop3A_155 : i32 to index
        %parallel_loop3A_209 = tpu.vector_load %arg9[%parallel_loop3A_207, %parallel_loop3A_208] {strides = array<i32>} : memref<8x2048xf32, #tpu.memory_space<vmem>>, vector<1x16xf32>,
        %parallel_loop3A_210 = vector.shape_cast %parallel_loop3A_209 : vector<1x16xf32> to vector<16xf32>
        %parallel_loop3A_211 = vector.shape_cast %parallel_loop3A_205 : vector<16xf32> to vector<1x16xf32>
        tpu.vector_store %arg9[%parallel_loop3A_207, %parallel_loop3A_208], %parallel_loop3A_211 {strides = array<i32>} : memref<8x2048xf32, #tpu.memory_space<vmem>>, vector<1x16xf32>,
        %parallel_loop3A_212 = arith.constant 4 : i32
        %parallel_loop3A_213 = arith.index_cast %parallel_loop3A_212 : i32 to index
        %parallel_loop3A_214 = arith.index_cast %parallel_loop3A_155 : i32 to index
        %parallel_loop3A_215 = tpu.vector_load %arg9[%parallel_loop3A_213, %parallel_loop3A_214] {strides = array<i32>} : memref<8x2048xf32, #tpu.memory_space<vmem>>, vector<1x16xf32>,
        %parallel_loop3A_216 = vector.shape_cast %parallel_loop3A_215 : vector<1x16xf32> to vector<16xf32>
        %parallel_loop3A_217 = arith.constant 45.2548332 : f32
        %parallel_loop3A_218 = vector.broadcast %parallel_loop3A_217 : f32 to vector<16xf32>
        %parallel_loop3A_219 = arith.mulf %parallel_loop3A_216, %parallel_loop3A_218 : vector<16xf32>
        %parallel_loop3A_220 = arith.constant 4 : i32
        %parallel_loop3A_221 = arith.index_cast %parallel_loop3A_220 : i32 to index
        %parallel_loop3A_222 = arith.index_cast %parallel_loop3A_155 : i32 to index
        %parallel_loop3A_223 = tpu.vector_load %arg9[%parallel_loop3A_221, %parallel_loop3A_222] {strides = array<i32>} : memref<8x2048xf32, #tpu.memory_space<vmem>>, vector<1x16xf32>,
        %parallel_loop3A_224 = vector.shape_cast %parallel_loop3A_223 : vector<1x16xf32> to vector<16xf32>
        %parallel_loop3A_225 = vector.shape_cast %parallel_loop3A_219 : vector<16xf32> to vector<1x16xf32>
        tpu.vector_store %arg9[%parallel_loop3A_221, %parallel_loop3A_222], %parallel_loop3A_225 {strides = array<i32>} : memref<8x2048xf32, #tpu.memory_space<vmem>>, vector<1x16xf32>,
        %parallel_loop3A_226 = arith.constant 5 : i32
        %parallel_loop3A_227 = arith.index_cast %parallel_loop3A_226 : i32 to index
        %parallel_loop3A_228 = arith.index_cast %parallel_loop3A_155 : i32 to index
        %parallel_loop3A_229 = tpu.vector_load %arg9[%parallel_loop3A_227, %parallel_loop3A_228] {strides = array<i32>} : memref<8x2048xf32, #tpu.memory_space<vmem>>, vector<1x16xf32>,
        %parallel_loop3A_230 = vector.shape_cast %parallel_loop3A_229 : vector<1x16xf32> to vector<16xf32>
        %parallel_loop3A_231 = arith.constant 45.2548332 : f32
        %parallel_loop3A_232 = vector.broadcast %parallel_loop3A_231 : f32 to vector<16xf32>
        %parallel_loop3A_233 = arith.mulf %parallel_loop3A_230, %parallel_loop3A_232 : vector<16xf32>
        %parallel_loop3A_234 = arith.constant 5 : i32
        %parallel_loop3A_235 = arith.index_cast %parallel_loop3A_234 : i32 to index
        %parallel_loop3A_236 = arith.index_cast %parallel_loop3A_155 : i32 to index
        %parallel_loop3A_237 = tpu.vector_load %arg9[%parallel_loop3A_235, %parallel_loop3A_236] {strides = array<i32>} : memref<8x2048xf32, #tpu.memory_space<vmem>>, vector<1x16xf32>,
        %parallel_loop3A_238 = vector.shape_cast %parallel_loop3A_237 : vector<1x16xf32> to vector<16xf32>
        %parallel_loop3A_239 = vector.shape_cast %parallel_loop3A_233 : vector<16xf32> to vector<1x16xf32>
        tpu.vector_store %arg9[%parallel_loop3A_235, %parallel_loop3A_236], %parallel_loop3A_239 {strides = array<i32>} : memref<8x2048xf32, #tpu.memory_space<vmem>>, vector<1x16xf32>,
        %parallel_loop3A_240 = arith.constant 6 : i32
        %parallel_loop3A_241 = arith.index_cast %parallel_loop3A_240 : i32 to index
        %parallel_loop3A_242 = arith.index_cast %parallel_loop3A_155 : i32 to index
        %parallel_loop3A_243 = tpu.vector_load %arg9[%parallel_loop3A_241, %parallel_loop3A_242] {strides = array<i32>} : memref<8x2048xf32, #tpu.memory_space<vmem>>, vector<1x16xf32>,
        %parallel_loop3A_244 = vector.shape_cast %parallel_loop3A_243 : vector<1x16xf32> to vector<16xf32>
        %parallel_loop3A_245 = arith.constant 45.2548332 : f32
        %parallel_loop3A_246 = vector.broadcast %parallel_loop3A_245 : f32 to vector<16xf32>
        %parallel_loop3A_247 = arith.mulf %parallel_loop3A_244, %parallel_loop3A_246 : vector<16xf32>
        %parallel_loop3A_248 = arith.constant 6 : i32
        %parallel_loop3A_249 = arith.index_cast %parallel_loop3A_248 : i32 to index
        %parallel_loop3A_250 = arith.index_cast %parallel_loop3A_155 : i32 to index
        %parallel_loop3A_251 = tpu.vector_load %arg9[%parallel_loop3A_249, %parallel_loop3A_250] {strides = array<i32>} : memref<8x2048xf32, #tpu.memory_space<vmem>>, vector<1x16xf32>,
        %parallel_loop3A_252 = vector.shape_cast %parallel_loop3A_251 : vector<1x16xf32> to vector<16xf32>
        %parallel_loop3A_253 = vector.shape_cast %parallel_loop3A_247 : vector<16xf32> to vector<1x16xf32>
        tpu.vector_store %arg9[%parallel_loop3A_249, %parallel_loop3A_250], %parallel_loop3A_253 {strides = array<i32>} : memref<8x2048xf32, #tpu.memory_space<vmem>>, vector<1x16xf32>,
        %parallel_loop3A_254 = arith.constant 7 : i32
        %parallel_loop3A_255 = arith.index_cast %parallel_loop3A_254 : i32 to index
        %parallel_loop3A_256 = arith.index_cast %parallel_loop3A_155 : i32 to index
        %parallel_loop3A_257 = tpu.vector_load %arg9[%parallel_loop3A_255, %parallel_loop3A_256] {strides = array<i32>} : memref<8x2048xf32, #tpu.memory_space<vmem>>, vector<1x16xf32>,
        %parallel_loop3A_258 = vector.shape_cast %parallel_loop3A_257 : vector<1x16xf32> to vector<16xf32>
        %parallel_loop3A_259 = arith.constant 45.2548332 : f32
        %parallel_loop3A_260 = vector.broadcast %parallel_loop3A_259 : f32 to vector<16xf32>
        %parallel_loop3A_261 = arith.mulf %parallel_loop3A_258, %parallel_loop3A_260 : vector<16xf32>
        %parallel_loop3A_262 = arith.constant 7 : i32
        %parallel_loop3A_263 = arith.index_cast %parallel_loop3A_262 : i32 to index
        %parallel_loop3A_264 = arith.index_cast %parallel_loop3A_155 : i32 to index
        %parallel_loop3A_265 = tpu.vector_load %arg9[%parallel_loop3A_263, %parallel_loop3A_264] {strides = array<i32>} : memref<8x2048xf32, #tpu.memory_space<vmem>>, vector<1x16xf32>,
        %parallel_loop3A_266 = vector.shape_cast %parallel_loop3A_265 : vector<1x16xf32> to vector<16xf32>
        %parallel_loop3A_267 = vector.shape_cast %parallel_loop3A_261 : vector<16xf32> to vector<1x16xf32>
        tpu.vector_store %arg9[%parallel_loop3A_263, %parallel_loop3A_264], %parallel_loop3A_267 {strides = array<i32>} : memref<8x2048xf32, #tpu.memory_space<vmem>>, vector<1x16xf32>,
      } {sc.loop_unroll_factor = 8 : i64, sc.parallel_access}
      %mul3A_144 = arith.constant 8 : i32
      %mul3A_145 = arith.muli %add3A_126, %mul3A_144 : i32
      %add3A_146 = arith.addi %mul3A_2, %mul3A_145 : i32
      %multiple_of3A_147 = tpu.assume_multiple %add3A_146, 8 : i32
      %dma_start3A_148 = arith.constant 0 : i32
      %dma_start3A_149 = tpu.memref_slice %arg4[%multiple_of3A_147, %dma_start3A_148] : memref<32768x2048xf32, #tpu.memory_space<hbm>> -> memref<8x2048xf32, #tpu.memory_space<hbm>>
      %dma_start3A_150 = arith.constant 0 : i32
      %dma_start3A_151 = tpu.memref_slice %arg4[%multiple_of3A_147, %dma_start3A_150] : memref<32768x2048xf32, #tpu.memory_space<hbm>> -> memref<8x2048xf32, #tpu.memory_space<hbm>>
      tpu.enqueue_dma source(%arg9 : memref<8x2048xf32, #tpu.memory_space<vmem>>) target(%dma_start3A_151 : memref<8x2048xf32, #tpu.memory_space<hbm>>) target_semaphore(%arg17 : memref<!tpu.dma_semaphore, #tpu.memory_space<semaphore_mem>>)
    }
    %scan3A_17 = arith.constant 32 : i32
    %add3A_18 = arith.constant 992 : i32
    %add3A_19 = arith.addi %mul3A_2, %add3A_18 : i32
    %multiple_of3A_20 = tpu.assume_multiple %add3A_19, 8 : i32
    %dma_wait3A = arith.constant 0 : i32
    %dma_wait3A_21 = tpu.memref_slice %arg4[%multiple_of3A_20, %dma_wait3A] : memref<32768x2048xf32, #tpu.memory_space<hbm>> -> memref<8x2048xf32, #tpu.memory_space<hbm>>
    %dma_wait3A_22 = arith.constant 0 : i32
    %dma_wait3A_23 = tpu.memref_slice %arg4[%multiple_of3A_20, %dma_wait3A_22] : memref<32768x2048xf32, #tpu.memory_space<hbm>> -> memref<8x2048xf32, #tpu.memory_space<hbm>>
    tpu.wait_dma2 semaphore(%arg14 : memref<!tpu.dma_semaphore, #tpu.memory_space<semaphore_mem>>) src(%arg6 : memref<8x2048xf32, #tpu.memory_space<vmem>>) dst(%dma_wait3A_23 : memref<8x2048xf32, #tpu.memory_space<hbm>>)
    %add3A_24 = arith.constant 1000 : i32
    %add3A_25 = arith.addi %mul3A_2, %add3A_24 : i32
    %multiple_of3A_26 = tpu.assume_multiple %add3A_25, 8 : i32
    %dma_wait3A_27 = arith.constant 0 : i32
    %dma_wait3A_28 = tpu.memref_slice %arg4[%multiple_of3A_26, %dma_wait3A_27] : memref<32768x2048xf32, #tpu.memory_space<hbm>> -> memref<8x2048xf32, #tpu.memory_space<hbm>>
    %dma_wait3A_29 = arith.constant 0 : i32
    %dma_wait3A_30 = tpu.memref_slice %arg4[%multiple_of3A_26, %dma_wait3A_29] : memref<32768x2048xf32, #tpu.memory_space<hbm>> -> memref<8x2048xf32, #tpu.memory_space<hbm>>
    tpu.wait_dma2 semaphore(%arg15 : memref<!tpu.dma_semaphore, #tpu.memory_space<semaphore_mem>>) src(%arg7 : memref<8x2048xf32, #tpu.memory_space<vmem>>) dst(%dma_wait3A_30 : memref<8x2048xf32, #tpu.memory_space<hbm>>)
    %add3A_31 = arith.constant 1008 : i32
    %add3A_32 = arith.addi %mul3A_2, %add3A_31 : i32
    %multiple_of3A_33 = tpu.assume_multiple %add3A_32, 8 : i32
    %dma_wait3A_34 = arith.constant 0 : i32
    %dma_wait3A_35 = tpu.memref_slice %arg4[%multiple_of3A_33, %dma_wait3A_34] : memref<32768x2048xf32, #tpu.memory_space<hbm>> -> memref<8x2048xf32, #tpu.memory_space<hbm>>
    %dma_wait3A_36 = arith.constant 0 : i32
    %dma_wait3A_37 = tpu.memref_slice %arg4[%multiple_of3A_33, %dma_wait3A_36] : memref<32768x2048xf32, #tpu.memory_space<hbm>> -> memref<8x2048xf32, #tpu.memory_space<hbm>>
    tpu.wait_dma2 semaphore(%arg16 : memref<!tpu.dma_semaphore, #tpu.memory_space<semaphore_mem>>) src(%arg8 : memref<8x2048xf32, #tpu.memory_space<vmem>>) dst(%dma_wait3A_37 : memref<8x2048xf32, #tpu.memory_space<hbm>>)
    %add3A_38 = arith.constant 1016 : i32
    %add3A_39 = arith.addi %mul3A_2, %add3A_38 : i32
    %multiple_of3A_40 = tpu.assume_multiple %add3A_39, 8 : i32
    %dma_wait3A_41 = arith.constant 0 : i32
    %dma_wait3A_42 = tpu.memref_slice %arg4[%multiple_of3A_40, %dma_wait3A_41] : memref<32768x2048xf32, #tpu.memory_space<hbm>> -> memref<8x2048xf32, #tpu.memory_space<hbm>>
    %dma_wait3A_43 = arith.constant 0 : i32
    %dma_wait3A_44 = tpu.memref_slice %arg4[%multiple_of3A_40, %dma_wait3A_43] : memref<32768x2048xf32, #tpu.memory_space<hbm>> -> memref<8x2048xf32, #tpu.memory_space<hbm>>
    tpu.wait_dma2 semaphore(%arg17 : memref<!tpu.dma_semaphore, #tpu.memory_space<semaphore_mem>>) src(%arg9 : memref<8x2048xf32, #tpu.memory_space<vmem>>) dst(%dma_wait3A_44 : memref<8x2048xf32, #tpu.memory_space<hbm>>)
    return
  }
}

</mosaic_0001>

<sc_bundles>
// kernel: kernel.3.cloned.1.call-start
scs
__scs_entry_jumppad:
0x0: {  	(pc) =	sbr.rel $0x88, $3  }
0x1: {  	(tag) =	ssettag $0x0;
	lr =	simm.s32 $0x1  }
0x2: {  	[smem:$0x3F9F] =	sst lr;
	_ =	strace $0xD0000000  }
0x3: {  	_ = 	snop  }
0x4: {  	_ = 	snop  }
0x5: {  	_ = 	snop  }
0x6: {  	_ = 	snop  }
0x7: {  	_ = 	snop  }
__scs_overlays_trampoline_lowered:
0x8: {  	[smem:$0x3FAE] =	sst s0  }
0x9: {  	[smem:$0x3FAF] =	sst s1  }
0xa: {  	[smem:$0x3FB0] =	sst s2  }
0xb: {  	[smem:$0x3FB1] =	sst s3  }
0xc: {  	[smem:$0x3FB2] =	sst s4  }
0xd: {  	[smem:$0x3FB3] =	sst s5  }
0xe: {  	[smem:$0x3FB4] =	sst s6  }
0xf: {  	[smem:$0x3FB5] =	sst s7  }
0x10: {  	[smem:$0x3FB6] =	sst s8  }
0x11: {  	[smem:$0x3FB7] =	sst s9;
	s0 =	simm.s32 @!p0 $0x0  }
0x12: {  	s1 =	sld [smem:$0x3F9D];
	s0 =	simm.s32 @p0 $0x1  }
0x13: {  	[smem:$0x3FB8] =	sst s0;
	s0 =	simm.s32 @!p1 $0x0  }
0x14: {  	s2 =	sld [smem:$0x3F9C];
	s0 =	simm.s32 @p1 $0x1  }
0x15: {  	[smem:$0x3FB9] =	sst s0;
	s0 =	simm.s32 @!p2 $0x0  }
0x16: {  	s3 =	sld [smem:$0x3FDB];
	s0 =	simm.s32 @p2 $0x1  }
0x17: {  	s4 =	simm.s32 $0x1BF5;
	[smem:$0x3FBB] =	sst s0  }
0x18: {  	s0 =	sld [smem:$0x3F9E];
	_ =	swait.ge [sflag:s4], $0x0  }
0x19: {  	s7 =	sld [smem:$0x3F9F]  }
0x1a: {  	s8 =	sadd.s32 $0xFFFFE003, lr  }
0x1b: {  	s9 =	sadd.s32 $0xFFFFFEF7, lr;
	s5 =	simm.s32 $0xFFFFFFFF;
	p2 =	slt.u32 s8, $0xFFFFF086  }
0x1c: {  	p1 =	slt.u32 s9, $0xF7A;
	s5 =	simm.s32 @!p2 $0x0  }
0x1d: {  	s5 =	simm.s32 @p1 $0x1;
	p0 =	seq.s32 s7, s2  }
0x1e: {  	s7 =	smul.u32 @!p0 $0xF7A, s2;
	p2 =	seq.s32 @!p0 s5, $0x0  }
0x1f: {  	s9 =	smul.u32 $0xF7A, s1;
	s8 =	simm.s32 @!p0 $0x1BF5;
	p2 =	por !p2, p0  }
0x20: {  	[sflag:s8] =	ssyncset.s32 @!p0 $0xFFFFF086;
	s6 =	sadd.s32 @!p0 s3, s7;
	s7 =	simm.s32 @!p0 $0x108  }
0x21: {  	s3 =	sadd.s32 s3, s9;
	s6 =	sadd.s32 @!p0 $0x88, s6;
	s7 =	simm.s32 @p2 $0x1082  }
0x22: {  	[simem:s7], [sflag:s8] =	dma.local @!p0 [hbm:s6], $0xF7A  }
0x23: {  	s9 =	sor.u32 $0xD0000000, s2;
	s6 =	simm.s32 $0x108;
	_ =	swait.ge @!p0 [sflag:s8], $0x0  }
0x24: {  	s3 =	sadd.s32 $0x88, s3;
	s6 =	simm.s32 @!p1 $0x1082;
	[sflag:s4] =	ssyncset.s32 $0xFFFFF086  }
0x25: {  	[simem:s6], [sflag:s4] =	dma.local [hbm:s3], $0xF7A  }
0x26: {  	[smem:$0x3F9F] =	sst s1;
	(tag) =	ssettag s2;
	_ =	strace s9  }
0x27: {  	s1 =	sld [smem:$0x3FAF]  }
0x28: {  	s2 =	sld [smem:$0x3FB0]  }
0x29: {  	s4 =	sld [smem:$0x3FB2]  }
0x2a: {  	p0 =	seq.s32 s5, $0x0;
	s5 =	sld [smem:$0x3FB3]  }
0x2b: {  	s6 =	sld [smem:$0x3FB4]  }
0x2c: {  	s7 =	sld [smem:$0x3FB5]  }
0x2d: {  	s3 =	simm.s32 $0x108;
	s8 =	sld [smem:$0x3FB6]  }
0x2e: {  	s3 =	simm.s32 @!p0 $0x1082;
	s9 =	sld [smem:$0x3FB7]  }
0x2f: {  	lr =	sadd.s32 s0, s3;
	s0 =	sld [smem:$0x3FAE]  }
0x30: {  	s3 =	sld [smem:$0x3FB1]  }
0x31: {  	[smem:$0x3FBA] =	sst s10  }
0x32: {  	s10 =	sld [smem:$0x3FB8];
	_ =	sdelay $0x3  }
0x33: {  	p0 =	seq.s32 s10, $0x1;
	s10 =	sld [smem:$0x3FBA];
	_ =	sdelay $0x3  }
0x34: {  	[smem:$0x3FBA] =	sst s10  }
0x35: {  	s10 =	sld [smem:$0x3FB9];
	_ =	sdelay $0x3  }
0x36: {  	p1 =	seq.s32 s10, $0x1;
	s10 =	sld [smem:$0x3FBA];
	_ =	sdelay $0x3  }
0x37: {  	[smem:$0x3FBA] =	sst s10  }
0x38: {  	s10 =	sld [smem:$0x3FBB]  }
0x39: {  	_ = 	snop;
	(pc) =	sbr.ind lr, $3  }
0x3a: {  	_ = 	snop  }
0x3b: {  	_ = 	snop  }
0x3c: {  	p2 =	seq.s32 s10, $0x1;
	s10 =	sld [smem:$0x3FBA]  }
0x3d: {  	_ =	shalt  }
0x3e: {  	_ =	shalt  }
0x3f: {  	_ =	shalt  }
0x40: {  	_ =	shalt  }
0x41: {  	_ =	shalt  }
0x42: {  	_ =	shalt  }
0x43: {  	_ =	shalt  }
0x44: {  	_ =	shalt  }
0x45: {  	_ =	shalt  }
0x46: {  	_ =	shalt  }
0x47: {  	_ =	shalt  }
0x48: {  	_ =	shalt  }
0x49: {  	_ =	shalt  }
0x4a: {  	_ =	shalt  }
0x4b: {  	_ =	shalt  }
0x4c: {  	_ =	shalt  }
0x4d: {  	_ =	shalt  }
0x4e: {  	_ =	shalt  }
0x4f: {  	_ =	shalt  }
0x50: {  	_ =	shalt  }
0x51: {  	_ =	shalt  }
0x52: {  	_ =	shalt  }
0x53: {  	_ =	shalt  }
0x54: {  	_ =	shalt  }
0x55: {  	_ =	shalt  }
0x56: {  	_ =	shalt  }
0x57: {  	_ =	shalt  }
0x58: {  	_ =	shalt  }
0x59: {  	_ =	shalt  }
0x5a: {  	_ =	shalt  }
0x5b: {  	_ =	shalt  }
0x5c: {  	_ =	shalt  }
0x5d: {  	_ =	shalt  }
0x5e: {  	_ =	shalt  }
0x5f: {  	_ =	shalt  }
0x60: {  	_ =	shalt  }
0x61: {  	_ =	shalt  }
0x62: {  	_ =	shalt  }
0x63: {  	_ =	shalt  }
0x64: {  	_ =	shalt  }
0x65: {  	_ =	shalt  }
0x66: {  	_ =	shalt  }
0x67: {  	_ =	shalt  }
0x68: {  	_ =	shalt  }
0x69: {  	_ =	shalt  }
0x6a: {  	_ =	shalt  }
0x6b: {  	_ =	shalt  }
0x6c: {  	_ =	shalt  }
0x6d: {  	_ =	shalt  }
0x6e: {  	_ =	shalt  }
0x6f: {  	_ =	shalt  }
0x70: {  	_ =	shalt  }
0x71: {  	_ =	shalt  }
0x72: {  	_ =	shalt  }
0x73: {  	_ =	shalt  }
0x74: {  	_ =	shalt  }
0x75: {  	_ =	shalt  }
0x76: {  	_ =	shalt  }
0x77: {  	_ =	shalt  }
0x78: {  	_ =	shalt  }
0x79: {  	_ =	shalt  }
0x7a: {  	_ =	shalt  }
0x7b: {  	_ =	shalt  }
0x7c: {  	_ =	shalt  }
0x7d: {  	_ =	shalt  }
0x7e: {  	_ =	shalt  }
0x7f: {  	_ =	shalt  }
0x80: {  	_ =	shalt  }
0x81: {  	_ =	shalt  }
0x82: {  	_ =	shalt  }
0x83: {  	_ =	shalt  }
0x84: {  	_ =	shalt  }
0x85: {  	_ =	shalt  }
0x86: {  	_ =	shalt  }
0x87: {  	_ =	shalt  }
.Lfunc_end0:
.L_simem_size_0:
called_computation_lowered:
.L_overlay_start_0:
0x88: {  	s2 =	sld [smem:$0x3FD9]  }
0x89: {  	s3 =	sld [smem:$0x3FFE];
	_ =	sdelay $0x1  }
0x8a: {  	s1 =	srdreg.scid  }
0x8b: {  	s0 =	sand.u32 $0x1, s1  }
0x8c: {  	s17 =	sshll.u32 s0, $0xA;
	s2 =	sadd.s32 s3, s2  }
0x8d: {  	s2 =	sadd.s32 s2, s17  }
0x8e: {  	[smem:$0x3FC6] =	sst s2  }
0x8f: {  	_ = 	snop  }
0x90: {  	s2 =	sld [smem:$0x3FC8]  }
0x91: {  	s18 =	sld [smem:$0x3FD0];
	(tm) =	ssettm $0x1  }
0x92: {  	s4 =	sld [smem:$0x3FFB];
	_ =	sdelay $0x3  }
0x93: {  	_ =	strace s4  }
0x94: {  	s4 =	sld [smem:$0x3FFC];
	_ =	sdelay $0x3  }
0x95: {  	_ =	strace s4  }
0x96: {  	s4 =	sld [smem:$0x3FFD];
	_ =	sdelay $0x3  }
0x97: {  	_ =	strace s4  }
0x98: {  	_ =	strace $0x8FFFFFFF  }
0x99: {  	s19 =	sld [smem:$0x3FDB];
	_ =	sdelay $0x1  }
0x9a: {  	s5 =	simm.s32 $_scs_section_size  }
0x9b: {  	s6 =	simm.s32 $_size__tile_overlayer_lowered;
	s7 =	simm.s32 $_tile_overlayer_lowered  }
0x9c: {  	s22 =	simm.s32 $0x1BFF;
	s21 =	sshll.u32 s7, $0x1;
	s4 =	sadd.s32 s5, s19  }
0x9d: {  	s8 =	simm.s32 $0x0;
	s20 =	sshll.u32 s6, $0x1;
	s6 =	sadd.s32 s21, s4  }
0x9e: {  	[timem:s8], [sflag:s22] =	dma.local [hbm:s6], s20  }
0x9f: {  	_ =	swait.ge [sflag:s22], s20  }
0xa0: {  	s5 =	ssub.s32 $0x0, s20;
	[sflag:s22] =	ssyncset.done $0x0  }
0xa1: {  	[sflag:s22] =	ssyncadd.s32 s5;
	_ =	sdelay $0x1  }
0xa2: {  	s23 =	simm.s32 $0x1B8B  }
0xa3: {  	_ =	swait.ge [sflag:s23], $0x1  }
0xa4: {  	[sflag:s23] =	ssyncset.done $0x0  }
0xa5: {  	s25 =	simm.s32 $0x1B8E;
	s24 =	sld [smem:$0x3FFE];
	[sflag:s23] =	ssyncadd.s32 $0xFFFFFFFF  }
0xa6: {  	s26 =	simm.s32 $execute0_lowered;
	[smem:$0x3FD2] =	sst s25  }
0xa7: {  	s6 =	sshll.u32 s26, $0x1;
	_ =	strace $0x80000046;
	[dreg:$0x1] =	wrdreg $0xFFFFFFFF  }
0xa8: {  	s28 =	simm.s32 $_size_execute0_lowered;
	s4 =	sadd.s32 s4, s6;
	[dreg:$0x0] =	wrdreg $0x0  }
0xa9: {  	s6 =	sshll.u32 s28, $0x1;
	[dreg:$0x2] =	wrdreg s4  }
0xaa: {  	[dreg:$0x3] =	wrdreg s6  }
0xab: {  	[dreg:$0x4] =	wrdreg $0xC0  }
0xac: {  	_ =	task [dreg:s8], $0x5FFFF  }
0xad: {  	[dreg:$0x1] =	wrdreg $0xFFFFFFFF  }
0xae: {  	[dreg:$0x0] =	wrdreg $0x60  }
0xaf: {  	[dreg:$0x2] =	wrdreg s24  }
0xb0: {  	[dreg:$0x3] =	wrdreg s2  }
0xb1: {  	[dreg:$0x4] =	wrdreg s18  }
0xb2: {  	[dreg:$0x5] =	wrdreg $0x9  }
0xb3: {  	_ =	task.clear_ibuf [dreg:s8], $0x6FFFF;
	_ =	strace $0x90000046  }
0xb4: {  	s29 =	simm.s32 $0x9;
	_ =	strace $0x80000048  }
0xb5: {  	_ =	swait.ge [sflag:s29], $0x1  }
0xb6: {  	[sflag:s29] =	ssyncadd.s32 $0xFFFFFFFF  }
0xb7: {  	_ =	strace $0x90000048  }
0xb8: {  	_ =	sfence  }
0xb9: {  	s30 =	sld [smem:$0x0];
	_ =	sdelay $0x2  }
0xba: {  	s31 =	sshll.u32 s1, $0xD;
	s1 =	sshrl.u32 s1, $0x2  }
0xbb: {  	s3 =	sand.u32 $0x4000, s31;
	s1 =	sadd.s32 s1, s30  }
0xbc: {  	s0 =	sor.u32 s3, s0;
	s1 =	sshll.u32 s1, $0x11  }
0xbd: {  	s0 =	sor.u32 s1, s0  }
0xbe: {  	s0 =	sadd.s32 $0x8F2B, s0  }
0xbf: {  	[sflag:s0] =	ssyncadd.remote.s32 $0x1  }
0xc0: {  	_ =	sfence.sel $0xFFFF  }
0xc1: {  	[dreg:$0x0] =	wrdreg $0xFFFFFFFF;
	(pc) =	sbr.abs _section_cstart, $3  }
0xc2: {  	[dreg:$0x1] =	wrdreg $0xFFFFFFFF  }
0xc3: {  	_ =	task.clear_ibuf [dreg:s8], $0x2FFFF;
	_ =	strace $0x9FFFFFFF  }
0xc4: {  	(tm) =	ssettm $0x7FFFFFFF  }
0xc5: {  	_ =	shalt  }
tec
execute0_lowered:
.L_overlay_start_1:
0x0: {  	(tag) =	ssettag $0x1  }
0x1: {  	s0 =	rddreg [dreg:$0x0]  }
0x2: {  	s2 =	rddreg [dreg:$0x1]  }
0x3: {  	s1 =	srdreg.scid;
	s3 =	rddreg [dreg:$0x2]  }
0x4: {  	s4 =	stileid.u32;
	s18 =	simm.s32 $0x400;
	s26 =	simm.s32 $0x4400  }
0x5: {  	s20 =	simm.s32 $0x8400;
	s30 =	simm.s32 $0x1;
	s31 =	simm.s32 $0xC400  }
0x6: {  	s15 =	simm.s32 $0xEC00;
	s17 =	simm.s32 $0xF400;
	s21 =	simm.s32 $0xFC00  }
0x7: {  	s22 =	simm.s32 $0x2;
	s23 =	simm.s32 $0x3;
	s24 =	simm.s32 $0x4  }
0x8: {  	s1 =	sand.u32 $0x1, s1;
	s5 =	sshll.u32 s4, $0xB;
	s4 =	simm.s32 $0x0  }
0x9: {  	s8 =	sadd.s32 $0x200, s2;
	s9 =	sadd.s32 $0x300, s2;
	s10 =	sadd.s32 $0x400, s2  }
0xa: {  	s11 =	sadd.s32 $0x500, s2;
	s12 =	sadd.s32 $0x600, s2;
	s14 =	sadd.s32 $0x700, s2  }
0xb: {  	s6 =	sshll.u32 s1, $0xA;
	s1 =	ssub.s32 $0x2, s1;
	[smem:$0x7FF] =	sst s4  }
0xc: {  	s6 =	sor.u32 s6, s5;
	s7 =	sshrl.u32 s1, $0x1;
	_ =	strace $0x80000047  }
0xd: {  	s5 =	sshrl.u32 s6, $0x3;
	s1 =	ssub.s32 s1, s7;
	s7 =	sadd.s32 $0x100, s2  }
0xe: {  	v0 =	vlaneseq.u32;
	s28 =	sshll.u32 s6, $0x8;
	s0 =	sadd.s32 s5, s0;
	s29 =	smax.u32 s1, $0x1  }
0xf: {  	v1 =	vshrl.u32 v0, $0x3;
	s13 =	sadd.s32 s3, s28;
	s0 =	sadd.s32 $0x400, s0;
	[dreg:$0x5] =	wrdreg s29  }
0x10: {  	vm0 =	vmmov $0xffff;
	v0 =	vand.u32 $0x7, v0;
	v1 =	vmul.u32 $0x8, v1;
	s6 =	simm.s32 $0x0;
	s16 =	sadd.s32 $0x800, s13;
	[dreg:$0x4] =	wrdreg s0  }
.LBB2_1:
0x11: {  	[dreg:$0x6] =	wrdreg s6  }
0x12: {  	s0 =	rddreg [dreg:$0x4];
	s25 =	simm.s32 $0x9  }
0x13: {  	[tilespmem:s4], [sflag:$0x9] =	stream.linear.gather [hbm4b:s0+s4], $0x400, $0x38;
	[tilespmem:$0x10400] =	vst v63  }
0x14: {  	_ =	swait.ge [sflag:s25], $0x400  }
0x15: {  	[sflag:s25] =	ssyncset.done $0x0  }
0x16: {  	[sflag:s25] =	ssyncadd.s32 $0xFFFFFC00  }
0x17: {  	v2 =	vld.msk [tilespmem:$0x0], $0xff;
	_ =	sdelay $0x4  }
0x18: {  	v3 =	vshll.u32 v2, $0x4  }
0x19: {  	v2 =	vand.u32 $0x7, v2;
	v3 =	vand.u32 $0xFFFFFF80, v3  }
0x1a: {  	v2 =	vor.u32 v2, v3  }
0x1b: {  	v2 =	vperm.xlane v2, v0;
	_ =	sdelay $0x1  }
0x1c: {  	v2 =	vadd.s32 v1, v2;
	_ =	sdelay $0x4  }
0x1d: {  	[tilespmem:s18], [sflag:$0x1] =	stream.indirect_vreg.gather [hbm4b:s2+s4], $0x80, v2, vm0, $0xb8;
	[tilespmem:$0x10400] =	vst v63  }
0x1e: {  	s28 =	simm.s32 $0xC00  }
0x1f: {  	[tilespmem:s28], [sflag:$0x1] =	stream.indirect_vreg.gather [hbm4b:s7+s4], $0x80, v2, vm0, $0xb8;
	[tilespmem:$0x10400] =	vst v63  }
0x20: {  	s29 =	simm.s32 $0x1400  }
0x21: {  	[tilespmem:s29], [sflag:$0x1] =	stream.indirect_vreg.gather [hbm4b:s8+s4], $0x80, v2, vm0, $0xb8;
	[tilespmem:$0x10400] =	vst v63  }
0x22: {  	s1 =	simm.s32 $0x1C00  }
0x23: {  	[tilespmem:s1], [sflag:$0x1] =	stream.indirect_vreg.gather [hbm4b:s9+s4], $0x80, v2, vm0, $0xb8;
	[tilespmem:$0x10400] =	vst v63  }
0x24: {  	s6 =	simm.s32 $0x2400  }
0x25: {  	[tilespmem:s6], [sflag:$0x1] =	stream.indirect_vreg.gather [hbm4b:s10+s4], $0x80, v2, vm0, $0xb8;
	[tilespmem:$0x10400] =	vst v63  }
0x26: {  	s19 =	simm.s32 $0x2C00  }
0x27: {  	[tilespmem:s19], [sflag:$0x1] =	stream.indirect_vreg.gather [hbm4b:s11+s4], $0x80, v2, vm0, $0xb8;
	[tilespmem:$0x10400] =	vst v63  }
0x28: {  	s25 =	simm.s32 $0x3400  }
0x29: {  	[tilespmem:s25], [sflag:$0x1] =	stream.indirect_vreg.gather [hbm4b:s12+s4], $0x80, v2, vm0, $0xb8;
	[tilespmem:$0x10400] =	vst v63  }
0x2a: {  	s28 =	simm.s32 $0x3C00  }
0x2b: {  	[tilespmem:s28], [sflag:$0x1] =	stream.indirect_vreg.gather [hbm4b:s14+s4], $0x80, v2, vm0, $0xb8;
	[tilespmem:$0x10400] =	vst v63  }
0x2c: {  	v2 =	vld.msk [tilespmem:$0x8], $0xff;
	_ =	sdelay $0x4  }
0x2d: {  	v3 =	vshll.u32 v2, $0x4  }
0x2e: {  	v2 =	vand.u32 $0x7, v2;
	v3 =	vand.u32 $0xFFFFFF80, v3  }
0x2f: {  	v2 =	vor.u32 v2, v3  }
0x30: {  	v2 =	vperm.xlane v2, v0;
	_ =	sdelay $0x1  }
0x31: {  	v2 =	vadd.s32 v1, v2;
	_ =	sdelay $0x4  }
0x32: {  	[tilespmem:s26], [sflag:$0x2] =	stream.indirect_vreg.gather [hbm4b:s2+s4], $0x80, v2, vm0, $0xb8;
	[tilespmem:$0x10400] =	vst v63  }
0x33: {  	s29 =	simm.s32 $0x4C00  }
0x34: {  	[tilespmem:s29], [sflag:$0x2] =	stream.indirect_vreg.gather [hbm4b:s7+s4], $0x80, v2, vm0, $0xb8;
	[tilespmem:$0x10400] =	vst v63  }
0x35: {  	s1 =	simm.s32 $0x5400  }
0x36: {  	[tilespmem:s1], [sflag:$0x2] =	stream.indirect_vreg.gather [hbm4b:s8+s4], $0x80, v2, vm0, $0xb8;
	[tilespmem:$0x10400] =	vst v63  }
0x37: {  	s6 =	simm.s32 $0x5C00  }
0x38: {  	[tilespmem:s6], [sflag:$0x2] =	stream.indirect_vreg.gather [hbm4b:s9+s4], $0x80, v2, vm0, $0xb8;
	[tilespmem:$0x10400] =	vst v63  }
0x39: {  	s19 =	simm.s32 $0x6400  }
0x3a: {  	[tilespmem:s19], [sflag:$0x2] =	stream.indirect_vreg.gather [hbm4b:s10+s4], $0x80, v2, vm0, $0xb8;
	[tilespmem:$0x10400] =	vst v63  }
0x3b: {  	s25 =	simm.s32 $0x6C00  }
0x3c: {  	[tilespmem:s25], [sflag:$0x2] =	stream.indirect_vreg.gather [hbm4b:s11+s4], $0x80, v2, vm0, $0xb8;
	[tilespmem:$0x10400] =	vst v63  }
0x3d: {  	s28 =	simm.s32 $0x7400  }
0x3e: {  	[tilespmem:s28], [sflag:$0x2] =	stream.indirect_vreg.gather [hbm4b:s12+s4], $0x80, v2, vm0, $0xb8;
	[tilespmem:$0x10400] =	vst v63  }
0x3f: {  	s29 =	simm.s32 $0x7C00;
	s25 =	simm.s32 $0x0  }
0x40: {  	[tilespmem:s29], [sflag:$0x2] =	stream.indirect_vreg.gather [hbm4b:s14+s4], $0x80, v2, vm0, $0xb8;
	[tilespmem:$0x10400] =	vst v63  }
.LBB2_2:
0x41: {  	p0 =	seq.s32 s25, $0x0  }
0x42: {  	s0 =	sshll.u32 s25, $0x2;
	s1 =	simm.s32 @!p0 $0x7  }
0x43: {  	s29 =	sor.u32 $0x2, s0;
	_ =	swait.ge @!p0 [sflag:s1], $0x4000  }
0x44: {  	s6 =	sshll.u32 s29, $0x3;
	[sflag:s1] =	ssyncset.done @!p0 $0x0  }
0x45: {  	s6 =	sand.u32 $0x3FFFFFF8, s6;
	[sflag:s1] =	ssyncadd.s32 @!p0 $0xFFFFC000  }
0x46: {  	v2 =	vld.msk [tilespmem:s6+$0x0], $0xff;
	_ =	sdelay $0x4  }
0x47: {  	v3 =	vshll.u32 v2, $0x4  }
0x48: {  	v2 =	vand.u32 $0x7, v2;
	v3 =	vand.u32 $0xFFFFFF80, v3  }
0x49: {  	v2 =	vor.u32 v2, v3  }
0x4a: {  	v2 =	vperm.xlane v2, v0;
	_ =	sdelay $0x1  }
0x4b: {  	v2 =	vadd.s32 v1, v2;
	_ =	sdelay $0x4  }
0x4c: {  	[tilespmem:s20], [sflag:$0x3] =	stream.indirect_vreg.gather [hbm4b:s2+s4], $0x80, v2, vm0, $0xb8;
	[tilespmem:$0x10400] =	vst v63  }
0x4d: {  	s19 =	simm.s32 $0x8C00  }
0x4e: {  	[tilespmem:s19], [sflag:$0x3] =	stream.indirect_vreg.gather [hbm4b:s7+s4], $0x80, v2, vm0, $0xb8;
	[tilespmem:$0x10400] =	vst v63  }
0x4f: {  	s6 =	simm.s32 $0x9400  }
0x50: {  	[tilespmem:s6], [sflag:$0x3] =	stream.indirect_vreg.gather [hbm4b:s8+s4], $0x80, v2, vm0, $0xb8;
	[tilespmem:$0x10400] =	vst v63  }
0x51: {  	s19 =	simm.s32 $0x9C00  }
0x52: {  	[tilespmem:s19], [sflag:$0x3] =	stream.indirect_vreg.gather [hbm4b:s9+s4], $0x80, v2, vm0, $0xb8;
	[tilespmem:$0x10400] =	vst v63  }
0x53: {  	s6 =	simm.s32 $0xA400  }
0x54: {  	[tilespmem:s6], [sflag:$0x3] =	stream.indirect_vreg.gather [hbm4b:s10+s4], $0x80, v2, vm0, $0xb8;
	[tilespmem:$0x10400] =	vst v63  }
0x55: {  	s19 =	simm.s32 $0xAC00  }
0x56: {  	[tilespmem:s19], [sflag:$0x3] =	stream.indirect_vreg.gather [hbm4b:s11+s4], $0x80, v2, vm0, $0xb8;
	[tilespmem:$0x10400] =	vst v63  }
0x57: {  	s6 =	simm.s32 $0xB400  }
0x58: {  	[tilespmem:s6], [sflag:$0x3] =	stream.indirect_vreg.gather [hbm4b:s12+s4], $0x80, v2, vm0, $0xb8;
	[tilespmem:$0x10400] =	vst v63  }
0x59: {  	s19 =	simm.s32 $0xBC00  }
0x5a: {  	[tilespmem:s19], [sflag:$0x3] =	stream.indirect_vreg.gather [hbm4b:s14+s4], $0x80, v2, vm0, $0xb8;
	[tilespmem:$0x10400] =	vst v63  }
0x5b: {  	_ =	swait.ge [sflag:s30], $0x4000  }
0x5c: {  	[sflag:s30] =	ssyncset.done $0x0  }
0x5d: {  	s28 =	simm.s32 $0x600;
	[sflag:s30] =	ssyncadd.s32 $0xFFFFC000  }
0x5e: {  	v2 =	vld [tilespmem:s28+$0x1F0]  }
0x5f: {  	v3 =	vld [tilespmem:s28+$0xFFFFFE80]  }
0x60: {  	v4 =	vld [tilespmem:s28+$0xFFFFFF00]  }
0x61: {  	v13 =	vld [tilespmem:s28+$0xFFFFFF90]  }
0x62: {  	v10 =	vld [tilespmem:s28+$0xFFFFFE10]  }
0x63: {  	v6 =	vld [tilespmem:s28+$0x0];
	v2 =	vmul.f32 $4.525483320e+01, v2  }
0x64: {  	v5 =	vld [tilespmem:s28+$0xFFFFFF80];
	v3 =	vmul.f32 $4.525483320e+01, v3  }
0x65: {  	v8 =	vld [tilespmem:s28+$0x100];
	v4 =	vmul.f32 $4.525483320e+01, v4;
	[tilespmem:s28+$0x1F0] =	vst v2  }
0x66: {  	v7 =	vld [tilespmem:s28+$0x80];
	v62 =	vmul.f32 $4.525483320e+01, v13;
	[tilespmem:s28+$0xFFFFFE80] =	vst v3  }
0x67: {  	v11 =	vld [tilespmem:s28+$0xFFFFFE90];
	v2 =	vmul.f32 $4.525483320e+01, v10;
	[tilespmem:s28+$0xFFFFFF00] =	vst v4  }
0x68: {  	v3 =	vld [tilespmem:s28+$0x110];
	v4 =	vmul.f32 $4.525483320e+01, v6;
	[tilespmem:s28+$0xFFFFFF90] =	vst v62  }
0x69: {  	v9 =	vld [tilespmem:s28+$0x180];
	[tilespmem:s28+$0xFFFFFE10] =	vst v2;
	v2 =	vmul.f32 $4.525483320e+01, v5  }
0x6a: {  	v6 =	vld [tilespmem:s28+$0xFFFFFE20];
	[tilespmem:s28+$0x0] =	vst v4;
	v4 =	vmul.f32 $4.525483320e+01, v8  }
0x6b: {  	v5 =	vld [tilespmem:s28+$0x190];
	[tilespmem:s28+$0xFFFFFF80] =	vst v2;
	v2 =	vmul.f32 $4.525483320e+01, v7  }
0x6c: {  	v14 =	vld [tilespmem:s28+$0x10];
	[tilespmem:s28+$0x100] =	vst v4;
	v4 =	vmul.f32 $4.525483320e+01, v11  }
0x6d: {  	v12 =	vld [tilespmem:s28+$0xFFFFFF10];
	v3 =	vmul.f32 $4.525483320e+01, v3;
	[tilespmem:s28+$0x80] =	vst v2  }
0x6e: {  	v8 =	vld [tilespmem:s28+$0xFFFFFF20];
	v2 =	vmul.f32 $4.525483320e+01, v9;
	[tilespmem:s28+$0xFFFFFE90] =	vst v4  }
0x6f: {  	v10 =	vld [tilespmem:s28+$0x90];
	v4 =	vmul.f32 $4.525483320e+01, v6;
	[tilespmem:s28+$0x110] =	vst v3  }
0x70: {  	v7 =	vld [tilespmem:s28+$0xFFFFFEA0];
	v5 =	vmul.f32 $4.525483320e+01, v5;
	[tilespmem:s28+$0x180] =	vst v2  }
0x71: {  	v11 =	vld [tilespmem:s28+$0x20];
	[tilespmem:s28+$0xFFFFFE20] =	vst v4;
	v4 =	vmul.f32 $4.525483320e+01, v14  }
0x72: {  	v9 =	vld [tilespmem:s28+$0xFFFFFFA0];
	v2 =	vmul.f32 $4.525483320e+01, v12;
	[tilespmem:s28+$0x190] =	vst v5  }
0x73: {  	v5 =	vmul.f32 $4.525483320e+01, v8;
	[tilespmem:s28+$0x10] =	vst v4;
	v4 =	vld [tilespmem:s28+$0xFFFFFE30]  }
0x74: {  	v10 =	vmul.f32 $4.525483320e+01, v10;
	[tilespmem:s28+$0xFFFFFF10] =	vst v2;
	v2 =	vld [tilespmem:s28+$0x120]  }
0x75: {  	v3 =	vmul.f32 $4.525483320e+01, v7;
	[tilespmem:s28+$0xFFFFFF20] =	vst v5;
	v5 =	vld [tilespmem:s28+$0xB0]  }
0x76: {  	v6 =	vld [tilespmem:s28+$0xA0];
	[tilespmem:s28+$0x90] =	vst v10;
	v11 =	vmul.f32 $4.525483320e+01, v11  }
0x77: {  	v10 =	vld [tilespmem:s28+$0xFFFFFEB0];
	[tilespmem:s28+$0xFFFFFEA0] =	vst v3;
	v3 =	vmul.f32 $4.525483320e+01, v9  }
0x78: {  	v63 =	vld [tilespmem:s28+$0x1A0];
	[tilespmem:s28+$0x20] =	vst v11;
	v4 =	vmul.f32 $4.525483320e+01, v4  }
0x79: {  	v8 =	vld [tilespmem:s28+$0xFFFFFFB0];
	[tilespmem:s28+$0xFFFFFFA0] =	vst v3;
	v2 =	vmul.f32 $4.525483320e+01, v2  }
0x7a: {  	v7 =	vld [tilespmem:s28+$0xFFFFFF30];
	v5 =	vmul.f32 $4.525483320e+01, v5;
	[tilespmem:s28+$0xFFFFFE30] =	vst v4  }
0x7b: {  	v11 =	vld [tilespmem:s28+$0xFFFFFE40];
	v4 =	vmul.f32 $4.525483320e+01, v6;
	[tilespmem:s28+$0x120] =	vst v2  }
0x7c: {  	v9 =	vld [tilespmem:s28+$0x30];
	v2 =	vmul.f32 $4.525483320e+01, v10;
	[tilespmem:s28+$0xB0] =	vst v5  }
0x7d: {  	v3 =	vld [tilespmem:s28+$0x130];
	[tilespmem:s28+$0xA0] =	vst v4;
	v4 =	vmul.f32 $4.525483320e+01, v63  }
0x7e: {  	v6 =	vld [tilespmem:s28+$0x1B0];
	[tilespmem:s28+$0xFFFFFEB0] =	vst v2;
	v2 =	vmul.f32 $4.525483320e+01, v8  }
0x7f: {  	v10 =	vld [tilespmem:s28+$0xFFFFFEC0];
	[tilespmem:s28+$0x1A0] =	vst v4;
	v4 =	vmul.f32 $4.525483320e+01, v7  }
0x80: {  	v7 =	vld [tilespmem:s28+$0xFFFFFF40];
	[tilespmem:s28+$0xFFFFFFB0] =	vst v2;
	v2 =	vmul.f32 $4.525483320e+01, v11  }
0x81: {  	v8 =	vld [tilespmem:s28+$0xFFFFFFC0];
	[tilespmem:s28+$0xFFFFFF30] =	vst v4;
	v4 =	vmul.f32 $4.525483320e+01, v9  }
0x82: {  	v9 =	vld [tilespmem:s28+$0x40];
	[tilespmem:s28+$0xFFFFFE40] =	vst v2;
	v2 =	vmul.f32 $4.525483320e+01, v3  }
0x83: {  	v11 =	vld [tilespmem:s28+$0xC0];
	v3 =	vmul.f32 $4.525483320e+01, v6;
	[tilespmem:s28+$0x30] =	vst v4  }
0x84: {  	v6 =	vld [tilespmem:s28+$0xFFFFFE50];
	[tilespmem:s28+$0x130] =	vst v2;
	v2 =	vmul.f32 $4.525483320e+01, v10  }
0x85: {  	v4 =	vld [tilespmem:s28+$0x140];
	[tilespmem:s28+$0x1B0] =	vst v3;
	v3 =	vmul.f32 $4.525483320e+01, v7  }
0x86: {  	v5 =	vld [tilespmem:s28+$0x1C0];
	[tilespmem:s28+$0xFFFFFEC0] =	vst v2;
	v2 =	vmul.f32 $4.525483320e+01, v8  }
0x87: {  	v7 =	vld [tilespmem:s28+$0xFFFFFED0];
	[tilespmem:s28+$0xFFFFFF40] =	vst v3;
	v3 =	vmul.f32 $4.525483320e+01, v9  }
0x88: {  	v8 =	vld [tilespmem:s28+$0xFFFFFF50];
	[tilespmem:s28+$0xFFFFFFC0] =	vst v2;
	v2 =	vmul.f32 $4.525483320e+01, v11  }
0x89: {  	v9 =	vld [tilespmem:s28+$0xFFFFFFD0];
	[tilespmem:s28+$0x40] =	vst v3;
	v3 =	vmul.f32 $4.525483320e+01, v6  }
0x8a: {  	v10 =	vld [tilespmem:s28+$0x50];
	v4 =	vmul.f32 $4.525483320e+01, v4;
	[tilespmem:s28+$0xC0] =	vst v2  }
0x8b: {  	v6 =	vld [tilespmem:s28+$0xD0];
	[tilespmem:s28+$0xFFFFFE50] =	vst v3;
	v3 =	vmul.f32 $4.525483320e+01, v5  }
0x8c: {  	v2 =	vld [tilespmem:s28+$0x150];
	[tilespmem:s28+$0x140] =	vst v4;
	v4 =	vmul.f32 $4.525483320e+01, v7  }
0x8d: {  	v5 =	vld [tilespmem:s28+$0x1D0];
	[tilespmem:s28+$0x1C0] =	vst v3;
	v3 =	vmul.f32 $4.525483320e+01, v8  }
0x8e: {  	v7 =	vld [tilespmem:s28+$0xFFFFFE60];
	[tilespmem:s28+$0xFFFFFED0] =	vst v4;
	v4 =	vmul.f32 $4.525483320e+01, v9  }
0x8f: {  	v8 =	vld [tilespmem:s28+$0xFFFFFEE0];
	[tilespmem:s28+$0xFFFFFF50] =	vst v3;
	v3 =	vmul.f32 $4.525483320e+01, v10  }
0x90: {  	v9 =	vld [tilespmem:s28+$0xFFFFFF60];
	[tilespmem:s28+$0xFFFFFFD0] =	vst v4;
	v4 =	vmul.f32 $4.525483320e+01, v6  }
0x91: {  	v6 =	vld [tilespmem:s28+$0xFFFFFFE0];
	v2 =	vmul.f32 $4.525483320e+01, v2;
	[tilespmem:s28+$0x50] =	vst v3  }
0x92: {  	v5 =	vmul.f32 $4.525483320e+01, v5;
	v3 =	vld [tilespmem:s28+$0x60];
	[tilespmem:s28+$0xD0] =	vst v4  }
0x93: {  	v4 =	vmul.f32 $4.525483320e+01, v7;
	v7 =	vld [tilespmem:s28+$0xE0];
	[tilespmem:s28+$0x150] =	vst v2  }
0x94: {  	v2 =	vld [tilespmem:s28+$0x160];
	v8 =	vmul.f32 $4.525483320e+01, v8;
	[tilespmem:s28+$0x1D0] =	vst v5  }
0x95: {  	v5 =	vld [tilespmem:s28+$0x1E0];
	[tilespmem:s28+$0xFFFFFE60] =	vst v4;
	v4 =	vmul.f32 $4.525483320e+01, v9  }
0x96: {  	[tilespmem:s28+$0xFFFFFEE0] =	vst v8;
	v6 =	vmul.f32 $4.525483320e+01, v6;
	v8 =	vld [tilespmem:s28+$0xFFFFFE70]  }
0x97: {  	v9 =	vld [tilespmem:s28+$0xFFFFFEF0];
	[tilespmem:s28+$0xFFFFFF60] =	vst v4;
	v3 =	vmul.f32 $4.525483320e+01, v3  }
0x98: {  	v10 =	vld [tilespmem:s28+$0xFFFFFF70];
	[tilespmem:s28+$0xFFFFFFE0] =	vst v6;
	v4 =	vmul.f32 $4.525483320e+01, v7  }
0x99: {  	v6 =	vmul.f32 $4.525483320e+01, v2;
	v2 =	vld [tilespmem:s28+$0xFFFFFFF0];
	[tilespmem:s28+$0x60] =	vst v3  }
0x9a: {  	v5 =	vmul.f32 $4.525483320e+01, v5;
	[tilespmem:s28+$0xE0] =	vst v4;
	v3 =	vld [tilespmem:s28+$0x70]  }
0x9b: {  	[tilespmem:s28+$0x160] =	vst v6;
	v4 =	vld [tilespmem:s28+$0xF0];
	v8 =	vmul.f32 $4.525483320e+01, v8  }
0x9c: {  	v7 =	vmul.f32 $4.525483320e+01, v9;
	[tilespmem:s28+$0x1E0] =	vst v5;
	v5 =	vld [tilespmem:s28+$0x170]  }
0x9d: {  	s1 =	simm.s32 $0x0;
	s19 =	simm.s32 $0xA00;
	v6 =	vld [tilespmem:s28+$0xFFFFFE00];
	[tilespmem:s28+$0xFFFFFE70] =	vst v8;
	v8 =	vmul.f32 $4.525483320e+01, v10  }
.LBB2_3:
0x9e: {  	v9 =	vld [tilespmem:s19+$0x1F0];
	s1 =	sadd.s32 $0x8, s1;
	[tilespmem:s28+$0xFFFFFEF0] =	vst v7;
	v2 =	vmul.f32 $4.525483320e+01, v2  }
0x9f: {  	v7 =	vld [tilespmem:s19+$0xFFFFFE80];
	p1 =	slt.u32 s1, $0x78;
	[tilespmem:s28+$0xFFFFFF70] =	vst v8;
	v3 =	vmul.f32 $4.525483320e+01, v3  }
0xa0: {  	v8 =	vld [tilespmem:s19+$0xFFFFFF00];
	[tilespmem:s28+$0xFFFFFFF0] =	vst v2;
	v2 =	vmul.f32 $4.525483320e+01, v4  }
0xa1: {  	v4 =	vld [tilespmem:s19+$0xFFFFFF80];
	[tilespmem:s28+$0x70] =	vst v3;
	v3 =	vmul.f32 $4.525483320e+01, v5  }
0xa2: {  	v5 =	vld [tilespmem:s19+$0x0];
	v6 =	vmul.f32 $4.525483320e+01, v6;
	[tilespmem:s28+$0xF0] =	vst v2  }
0xa3: {  	v2 =	vld [tilespmem:s19+$0x80];
	v9 =	vmul.f32 $4.525483320e+01, v9;
	[tilespmem:s28+$0x170] =	vst v3  }
0xa4: {  	v3 =	vmul.f32 $4.525483320e+01, v7;
	v7 =	vld [tilespmem:s19+$0x100];
	[tilespmem:s28+$0xFFFFFE00] =	vst v6;
	s28 =	smov.u32 s19  }
0xa5: {  	v6 =	vmul.f32 $4.525483320e+01, v8;
	v8 =	vld [tilespmem:s19+$0x180];
	[tilespmem:s19+$0x1F0] =	vst v9  }
0xa6: {  	[tilespmem:s19+$0xFFFFFE80] =	vst v3;
	v3 =	vmul.f32 $4.525483320e+01, v4;
	v4 =	vld [tilespmem:s19+$0xFFFFFE10]  }
0xa7: {  	[tilespmem:s19+$0xFFFFFF00] =	vst v6;
	v5 =	vmul.f32 $4.525483320e+01, v5;
	v6 =	vld [tilespmem:s19+$0xFFFFFE90]  }
0xa8: {  	[tilespmem:s19+$0xFFFFFF80] =	vst v3;
	v2 =	vmul.f32 $4.525483320e+01, v2;
	v3 =	vld [tilespmem:s19+$0xFFFFFF10]  }
0xa9: {  	[tilespmem:s19+$0x0] =	vst v5;
	v5 =	vmul.f32 $4.525483320e+01, v7;
	v7 =	vld [tilespmem:s19+$0xFFFFFF90]  }
0xaa: {  	[tilespmem:s19+$0x80] =	vst v2;
	v2 =	vmul.f32 $4.525483320e+01, v8;
	v8 =	vld [tilespmem:s19+$0x10]  }
0xab: {  	[tilespmem:s19+$0x100] =	vst v5;
	v4 =	vmul.f32 $4.525483320e+01, v4;
	v5 =	vld [tilespmem:s19+$0x90]  }
0xac: {  	[tilespmem:s19+$0x180] =	vst v2;
	v2 =	vmul.f32 $4.525483320e+01, v6;
	v6 =	vld [tilespmem:s19+$0x110]  }
0xad: {  	[tilespmem:s19+$0xFFFFFE10] =	vst v4;
	v3 =	vmul.f32 $4.525483320e+01, v3;
	v4 =	vld [tilespmem:s19+$0x190]  }
0xae: {  	[tilespmem:s19+$0xFFFFFE90] =	vst v2;
	v2 =	vmul.f32 $4.525483320e+01, v7;
	v7 =	vld [tilespmem:s19+$0xFFFFFE20]  }
0xaf: {  	[tilespmem:s19+$0xFFFFFF10] =	vst v3;
	v3 =	vmul.f32 $4.525483320e+01, v8;
	v8 =	vld [tilespmem:s19+$0xFFFFFEA0]  }
0xb0: {  	[tilespmem:s19+$0xFFFFFF90] =	vst v2;
	v2 =	vmul.f32 $4.525483320e+01, v5;
	v5 =	vld [tilespmem:s19+$0xFFFFFF20]  }
0xb1: {  	[tilespmem:s19+$0x10] =	vst v3;
	v3 =	vmul.f32 $4.525483320e+01, v6;
	v6 =	vld [tilespmem:s19+$0xFFFFFFA0]  }
0xb2: {  	[tilespmem:s19+$0x90] =	vst v2;
	v2 =	vmul.f32 $4.525483320e+01, v4;
	v4 =	vld [tilespmem:s19+$0x20]  }
0xb3: {  	[tilespmem:s19+$0x110] =	vst v3;
	v3 =	vmul.f32 $4.525483320e+01, v7;
	v7 =	vld [tilespmem:s19+$0xA0]  }
0xb4: {  	[tilespmem:s19+$0x190] =	vst v2;
	v2 =	vmul.f32 $4.525483320e+01, v8;
	v8 =	vld [tilespmem:s19+$0x120]  }
0xb5: {  	[tilespmem:s19+$0xFFFFFE20] =	vst v3;
	v3 =	vmul.f32 $4.525483320e+01, v5;
	v5 =	vld [tilespmem:s19+$0x1A0]  }
0xb6: {  	[tilespmem:s19+$0xFFFFFEA0] =	vst v2;
	v2 =	vmul.f32 $4.525483320e+01, v6;
	v6 =	vld [tilespmem:s19+$0xFFFFFE30]  }
0xb7: {  	[tilespmem:s19+$0xFFFFFF20] =	vst v3;
	v3 =	vmul.f32 $4.525483320e+01, v4;
	v4 =	vld [tilespmem:s19+$0xFFFFFEB0]  }
0xb8: {  	[tilespmem:s19+$0xFFFFFFA0] =	vst v2;
	v2 =	vmul.f32 $4.525483320e+01, v7;
	v7 =	vld [tilespmem:s19+$0xFFFFFF30]  }
0xb9: {  	[tilespmem:s19+$0x20] =	vst v3;
	v3 =	vmul.f32 $4.525483320e+01, v8;
	v8 =	vld [tilespmem:s19+$0xFFFFFFB0]  }
0xba: {  	[tilespmem:s19+$0xA0] =	vst v2;
	v2 =	vmul.f32 $4.525483320e+01, v5;
	v5 =	vld [tilespmem:s19+$0x30]  }
0xbb: {  	[tilespmem:s19+$0x120] =	vst v3;
	v3 =	vmul.f32 $4.525483320e+01, v6;
	v6 =	vld [tilespmem:s19+$0xB0]  }
0xbc: {  	[tilespmem:s19+$0x1A0] =	vst v2;
	v2 =	vmul.f32 $4.525483320e+01, v4;
	v4 =	vld [tilespmem:s19+$0x130]  }
0xbd: {  	[tilespmem:s19+$0xFFFFFE30] =	vst v3;
	v3 =	vmul.f32 $4.525483320e+01, v7;
	v7 =	vld [tilespmem:s19+$0x1B0]  }
0xbe: {  	[tilespmem:s19+$0xFFFFFEB0] =	vst v2;
	v2 =	vmul.f32 $4.525483320e+01, v8;
	v8 =	vld [tilespmem:s19+$0xFFFFFE40]  }
0xbf: {  	[tilespmem:s19+$0xFFFFFF30] =	vst v3;
	v3 =	vmul.f32 $4.525483320e+01, v5;
	v5 =	vld [tilespmem:s19+$0xFFFFFEC0]  }
0xc0: {  	[tilespmem:s19+$0xFFFFFFB0] =	vst v2;
	v2 =	vmul.f32 $4.525483320e+01, v6;
	v6 =	vld [tilespmem:s19+$0xFFFFFF40]  }
0xc1: {  	[tilespmem:s19+$0x30] =	vst v3;
	v3 =	vmul.f32 $4.525483320e+01, v4;
	v4 =	vld [tilespmem:s19+$0xFFFFFFC0]  }
0xc2: {  	[tilespmem:s19+$0xB0] =	vst v2;
	v2 =	vmul.f32 $4.525483320e+01, v7;
	v7 =	vld [tilespmem:s19+$0x40]  }
0xc3: {  	[tilespmem:s19+$0x130] =	vst v3;
	v3 =	vmul.f32 $4.525483320e+01, v8;
	v8 =	vld [tilespmem:s19+$0xC0]  }
0xc4: {  	[tilespmem:s19+$0x1B0] =	vst v2;
	v2 =	vmul.f32 $4.525483320e+01, v5;
	v5 =	vld [tilespmem:s19+$0x140]  }
0xc5: {  	[tilespmem:s19+$0xFFFFFE40] =	vst v3;
	v3 =	vmul.f32 $4.525483320e+01, v6;
	v6 =	vld [tilespmem:s19+$0x1C0]  }
0xc6: {  	[tilespmem:s19+$0xFFFFFEC0] =	vst v2;
	v2 =	vmul.f32 $4.525483320e+01, v4;
	v4 =	vld [tilespmem:s19+$0xFFFFFE50]  }
0xc7: {  	[tilespmem:s19+$0xFFFFFF40] =	vst v3;
	v3 =	vmul.f32 $4.525483320e+01, v7;
	v7 =	vld [tilespmem:s19+$0xFFFFFED0]  }
0xc8: {  	[tilespmem:s19+$0xFFFFFFC0] =	vst v2;
	v2 =	vmul.f32 $4.525483320e+01, v8;
	v8 =	vld [tilespmem:s19+$0xFFFFFF50]  }
0xc9: {  	[tilespmem:s19+$0x40] =	vst v3;
	v3 =	vmul.f32 $4.525483320e+01, v5;
	v5 =	vld [tilespmem:s19+$0xFFFFFFD0]  }
0xca: {  	[tilespmem:s19+$0xC0] =	vst v2;
	v2 =	vmul.f32 $4.525483320e+01, v6;
	v6 =	vld [tilespmem:s19+$0x50]  }
0xcb: {  	[tilespmem:s19+$0x140] =	vst v3;
	v3 =	vmul.f32 $4.525483320e+01, v4;
	v4 =	vld [tilespmem:s19+$0xD0]  }
0xcc: {  	[tilespmem:s19+$0x1C0] =	vst v2;
	v2 =	vmul.f32 $4.525483320e+01, v7;
	v7 =	vld [tilespmem:s19+$0x150]  }
0xcd: {  	[tilespmem:s19+$0xFFFFFE50] =	vst v3;
	v3 =	vmul.f32 $4.525483320e+01, v8;
	v8 =	vld [tilespmem:s19+$0x1D0]  }
0xce: {  	[tilespmem:s19+$0xFFFFFED0] =	vst v2;
	v2 =	vmul.f32 $4.525483320e+01, v5;
	v5 =	vld [tilespmem:s19+$0xFFFFFE60]  }
0xcf: {  	[tilespmem:s19+$0xFFFFFF50] =	vst v3;
	v3 =	vmul.f32 $4.525483320e+01, v6;
	v6 =	vld [tilespmem:s19+$0xFFFFFEE0]  }
0xd0: {  	[tilespmem:s19+$0xFFFFFFD0] =	vst v2;
	v2 =	vmul.f32 $4.525483320e+01, v4;
	v4 =	vld [tilespmem:s19+$0xFFFFFF60]  }
0xd1: {  	[tilespmem:s19+$0x50] =	vst v3;
	v3 =	vmul.f32 $4.525483320e+01, v7;
	v7 =	vld [tilespmem:s19+$0xFFFFFFE0]  }
0xd2: {  	[tilespmem:s19+$0xD0] =	vst v2;
	v2 =	vmul.f32 $4.525483320e+01, v8;
	v8 =	vld [tilespmem:s19+$0x60]  }
0xd3: {  	[tilespmem:s19+$0x150] =	vst v3;
	v3 =	vmul.f32 $4.525483320e+01, v5;
	v5 =	vld [tilespmem:s19+$0xE0]  }
0xd4: {  	[tilespmem:s19+$0x1D0] =	vst v2;
	v2 =	vmul.f32 $4.525483320e+01, v6;
	v6 =	vld [tilespmem:s19+$0x160]  }
0xd5: {  	[tilespmem:s19+$0xFFFFFE60] =	vst v3;
	v3 =	vmul.f32 $4.525483320e+01, v4;
	v4 =	vld [tilespmem:s19+$0x1E0]  }
0xd6: {  	[tilespmem:s19+$0xFFFFFEE0] =	vst v2;
	v2 =	vmul.f32 $4.525483320e+01, v7;
	v7 =	vld [tilespmem:s19+$0xFFFFFE70]  }
0xd7: {  	[tilespmem:s19+$0xFFFFFF60] =	vst v3;
	v3 =	vmul.f32 $4.525483320e+01, v8;
	v8 =	vld [tilespmem:s19+$0xFFFFFEF0]  }
0xd8: {  	[tilespmem:s19+$0xFFFFFFE0] =	vst v2;
	v5 =	vmul.f32 $4.525483320e+01, v5;
	v9 =	vld [tilespmem:s19+$0xFFFFFF70]  }
.Ltmp0:
0xd9: {  	[tilespmem:s19+$0x60] =	vst v3;
	v6 =	vmul.f32 $4.525483320e+01, v6;
	v2 =	vld [tilespmem:s19+$0xFFFFFFF0];
	(pc) =	sbr.rel @p1 .LBB2_3-.Ltmp0, $4  }
0xda: {  	[tilespmem:s19+$0xE0] =	vst v5;
	v5 =	vmul.f32 $4.525483320e+01, v4;
	v3 =	vld [tilespmem:s19+$0x70]  }
0xdb: {  	[tilespmem:s19+$0x160] =	vst v6;
	v10 =	vmul.f32 $4.525483320e+01, v7;
	v4 =	vld [tilespmem:s19+$0xF0]  }
0xdc: {  	[tilespmem:s19+$0x1E0] =	vst v5;
	v7 =	vmul.f32 $4.525483320e+01, v8;
	v5 =	vld [tilespmem:s19+$0x170]  }
0xdd: {  	s19 =	sadd.s32 $0x400, s19;
	v6 =	vld [tilespmem:s28+$0xFFFFFE00];
	[tilespmem:s28+$0xFFFFFE70] =	vst v10;
	v8 =	vmul.f32 $4.525483320e+01, v9  }
0xde: {  	[tilespmem:s28+$0xFFFFFEF0] =	vst v7;
	v2 =	vmul.f32 $4.525483320e+01, v2  }
0xdf: {  	[tilespmem:s28+$0xFFFFFF70] =	vst v8;
	v3 =	vmul.f32 $4.525483320e+01, v3  }
0xe0: {  	[tilespmem:s28+$0xFFFFFFF0] =	vst v2;
	v2 =	vmul.f32 $4.525483320e+01, v4  }
0xe1: {  	[tilespmem:s28+$0x70] =	vst v3;
	v3 =	vmul.f32 $4.525483320e+01, v5  }
0xe2: {  	v4 =	vmul.f32 $4.525483320e+01, v6;
	[tilespmem:s28+$0xF0] =	vst v2  }
0xe3: {  	s1 =	sshll.u32 s25, $0xD;
	[tilespmem:s28+$0x170] =	vst v3  }
0xe4: {  	s6 =	sadd.s32 s1, s13;
	[tilespmem:s28+$0xFFFFFE00] =	vst v4  }
0xe5: {  	[hbm4b:s6+s4] =	stream.linear.scatter [tilespmem:s18], [sflag:$0x5], $0x4000, $0x38;
	[tilespmem:$0x10400] =	vst v63  }
0xe6: {  	s6 =	simm.s32 @!p0 $0x8  }
0xe7: {  	s28 =	sor.u32 $0x3, s0;
	_ =	swait.ge @!p0 [sflag:s6], $0x4000  }
0xe8: {  	s0 =	sshll.u32 s28, $0x3;
	[sflag:s6] =	ssyncset.done @!p0 $0x0  }
0xe9: {  	s0 =	sand.u32 $0x3FFFFFF8, s0;
	[sflag:s6] =	ssyncadd.s32 @!p0 $0xFFFFC000  }
0xea: {  	v2 =	vld.msk [tilespmem:s0+$0x0], $0xff;
	_ =	sdelay $0x4  }
0xeb: {  	v3 =	vshll.u32 v2, $0x4  }
0xec: {  	v2 =	vand.u32 $0x7, v2;
	v3 =	vand.u32 $0xFFFFFF80, v3  }
0xed: {  	v2 =	vor.u32 v2, v3  }
0xee: {  	v2 =	vperm.xlane v2, v0;
	_ =	sdelay $0x1  }
0xef: {  	v2 =	vadd.s32 v1, v2;
	_ =	sdelay $0x4  }
0xf0: {  	[tilespmem:s31], [sflag:$0x4] =	stream.indirect_vreg.gather [hbm4b:s2+s4], $0x80, v2, vm0, $0xb8;
	[tilespmem:$0x10400] =	vst v63  }
0xf1: {  	s6 =	simm.s32 $0xCC00  }
0xf2: {  	[tilespmem:s6], [sflag:$0x4] =	stream.indirect_vreg.gather [hbm4b:s7+s4], $0x80, v2, vm0, $0xb8;
	[tilespmem:$0x10400] =	vst v63  }
0xf3: {  	s19 =	simm.s32 $0xD400  }
0xf4: {  	[tilespmem:s19], [sflag:$0x4] =	stream.indirect_vreg.gather [hbm4b:s8+s4], $0x80, v2, vm0, $0xb8;
	[tilespmem:$0x10400] =	vst v63  }
0xf5: {  	s6 =	simm.s32 $0xDC00  }
0xf6: {  	[tilespmem:s6], [sflag:$0x4] =	stream.indirect_vreg.gather [hbm4b:s9+s4], $0x80, v2, vm0, $0xb8;
	[tilespmem:$0x10400] =	vst v63  }
0xf7: {  	s19 =	simm.s32 $0xE400  }
0xf8: {  	[tilespmem:s19], [sflag:$0x4] =	stream.indirect_vreg.gather [hbm4b:s10+s4], $0x80, v2, vm0, $0xb8;
	[tilespmem:$0x10400] =	vst v63  }
0xf9: {  	_ = 	snop  }
0xfa: {  	[tilespmem:s15], [sflag:$0x4] =	stream.indirect_vreg.gather [hbm4b:s11+s4], $0x80, v2, vm0, $0xb8;
	[tilespmem:$0x10400] =	vst v63  }
0xfb: {  	_ = 	snop  }
0xfc: {  	[tilespmem:s17], [sflag:$0x4] =	stream.indirect_vreg.gather [hbm4b:s12+s4], $0x80, v2, vm0, $0xb8;
	[tilespmem:$0x10400] =	vst v63  }
0xfd: {  	_ = 	snop  }
0xfe: {  	[tilespmem:s21], [sflag:$0x4] =	stream.indirect_vreg.gather [hbm4b:s14+s4], $0x80, v2, vm0, $0xb8;
	[tilespmem:$0x10400] =	vst v63  }
0xff: {  	_ =	swait.ge [sflag:s22], $0x4000  }
0x100: {  	[sflag:s22] =	ssyncset.done $0x0  }
0x101: {  	s0 =	simm.s32 $0x4600;
	[sflag:s22] =	ssyncadd.s32 $0xFFFFC000  }
0x102: {  	v2 =	vld [tilespmem:s0+$0x1F0]  }
0x103: {  	v3 =	vld [tilespmem:s0+$0xFFFFFE80]  }
0x104: {  	v4 =	vld [tilespmem:s0+$0xFFFFFF00]  }
0x105: {  	v13 =	vld [tilespmem:s0+$0xFFFFFF90]  }
0x106: {  	v10 =	vld [tilespmem:s0+$0xFFFFFE10]  }
0x107: {  	v6 =	vld [tilespmem:s0+$0x0];
	v2 =	vmul.f32 $4.525483320e+01, v2  }
0x108: {  	v5 =	vld [tilespmem:s0+$0xFFFFFF80];
	v3 =	vmul.f32 $4.525483320e+01, v3  }
0x109: {  	v8 =	vld [tilespmem:s0+$0x100];
	v4 =	vmul.f32 $4.525483320e+01, v4;
	[tilespmem:s0+$0x1F0] =	vst v2  }
0x10a: {  	v7 =	vld [tilespmem:s0+$0x80];
	v62 =	vmul.f32 $4.525483320e+01, v13;
	[tilespmem:s0+$0xFFFFFE80] =	vst v3  }
0x10b: {  	v11 =	vld [tilespmem:s0+$0xFFFFFE90];
	v2 =	vmul.f32 $4.525483320e+01, v10;
	[tilespmem:s0+$0xFFFFFF00] =	vst v4  }
0x10c: {  	v3 =	vld [tilespmem:s0+$0x110];
	v4 =	vmul.f32 $4.525483320e+01, v6;
	[tilespmem:s0+$0xFFFFFF90] =	vst v62  }
0x10d: {  	v9 =	vld [tilespmem:s0+$0x180];
	[tilespmem:s0+$0xFFFFFE10] =	vst v2;
	v2 =	vmul.f32 $4.525483320e+01, v5  }
0x10e: {  	v6 =	vld [tilespmem:s0+$0xFFFFFE20];
	[tilespmem:s0+$0x0] =	vst v4;
	v4 =	vmul.f32 $4.525483320e+01, v8  }
0x10f: {  	v5 =	vld [tilespmem:s0+$0x190];
	[tilespmem:s0+$0xFFFFFF80] =	vst v2;
	v2 =	vmul.f32 $4.525483320e+01, v7  }
0x110: {  	v14 =	vld [tilespmem:s0+$0x10];
	[tilespmem:s0+$0x100] =	vst v4;
	v4 =	vmul.f32 $4.525483320e+01, v11  }
0x111: {  	v12 =	vld [tilespmem:s0+$0xFFFFFF10];
	v3 =	vmul.f32 $4.525483320e+01, v3;
	[tilespmem:s0+$0x80] =	vst v2  }
0x112: {  	v8 =	vld [tilespmem:s0+$0xFFFFFF20];
	v2 =	vmul.f32 $4.525483320e+01, v9;
	[tilespmem:s0+$0xFFFFFE90] =	vst v4  }
0x113: {  	v10 =	vld [tilespmem:s0+$0x90];
	v4 =	vmul.f32 $4.525483320e+01, v6;
	[tilespmem:s0+$0x110] =	vst v3  }
0x114: {  	v7 =	vld [tilespmem:s0+$0xFFFFFEA0];
	v5 =	vmul.f32 $4.525483320e+01, v5;
	[tilespmem:s0+$0x180] =	vst v2  }
0x115: {  	v11 =	vld [tilespmem:s0+$0x20];
	[tilespmem:s0+$0xFFFFFE20] =	vst v4;
	v4 =	vmul.f32 $4.525483320e+01, v14  }
0x116: {  	v9 =	vld [tilespmem:s0+$0xFFFFFFA0];
	v2 =	vmul.f32 $4.525483320e+01, v12;
	[tilespmem:s0+$0x190] =	vst v5  }
0x117: {  	v5 =	vmul.f32 $4.525483320e+01, v8;
	[tilespmem:s0+$0x10] =	vst v4;
	v4 =	vld [tilespmem:s0+$0xFFFFFE30]  }
0x118: {  	v10 =	vmul.f32 $4.525483320e+01, v10;
	[tilespmem:s0+$0xFFFFFF10] =	vst v2;
	v2 =	vld [tilespmem:s0+$0x120]  }
0x119: {  	v3 =	vmul.f32 $4.525483320e+01, v7;
	[tilespmem:s0+$0xFFFFFF20] =	vst v5;
	v5 =	vld [tilespmem:s0+$0xB0]  }
0x11a: {  	v6 =	vld [tilespmem:s0+$0xA0];
	[tilespmem:s0+$0x90] =	vst v10;
	v11 =	vmul.f32 $4.525483320e+01, v11  }
0x11b: {  	v10 =	vld [tilespmem:s0+$0xFFFFFEB0];
	[tilespmem:s0+$0xFFFFFEA0] =	vst v3;
	v3 =	vmul.f32 $4.525483320e+01, v9  }
0x11c: {  	v63 =	vld [tilespmem:s0+$0x1A0];
	[tilespmem:s0+$0x20] =	vst v11;
	v4 =	vmul.f32 $4.525483320e+01, v4  }
0x11d: {  	v8 =	vld [tilespmem:s0+$0xFFFFFFB0];
	[tilespmem:s0+$0xFFFFFFA0] =	vst v3;
	v2 =	vmul.f32 $4.525483320e+01, v2  }
0x11e: {  	v7 =	vld [tilespmem:s0+$0xFFFFFF30];
	v5 =	vmul.f32 $4.525483320e+01, v5;
	[tilespmem:s0+$0xFFFFFE30] =	vst v4  }
0x11f: {  	v11 =	vld [tilespmem:s0+$0xFFFFFE40];
	v4 =	vmul.f32 $4.525483320e+01, v6;
	[tilespmem:s0+$0x120] =	vst v2  }
0x120: {  	v9 =	vld [tilespmem:s0+$0x30];
	v2 =	vmul.f32 $4.525483320e+01, v10;
	[tilespmem:s0+$0xB0] =	vst v5  }
0x121: {  	v3 =	vld [tilespmem:s0+$0x130];
	[tilespmem:s0+$0xA0] =	vst v4;
	v4 =	vmul.f32 $4.525483320e+01, v63  }
0x122: {  	v6 =	vld [tilespmem:s0+$0x1B0];
	[tilespmem:s0+$0xFFFFFEB0] =	vst v2;
	v2 =	vmul.f32 $4.525483320e+01, v8  }
0x123: {  	v10 =	vld [tilespmem:s0+$0xFFFFFEC0];
	[tilespmem:s0+$0x1A0] =	vst v4;
	v4 =	vmul.f32 $4.525483320e+01, v7  }
0x124: {  	v7 =	vld [tilespmem:s0+$0xFFFFFF40];
	[tilespmem:s0+$0xFFFFFFB0] =	vst v2;
	v2 =	vmul.f32 $4.525483320e+01, v11  }
0x125: {  	v8 =	vld [tilespmem:s0+$0xFFFFFFC0];
	[tilespmem:s0+$0xFFFFFF30] =	vst v4;
	v4 =	vmul.f32 $4.525483320e+01, v9  }
0x126: {  	v9 =	vld [tilespmem:s0+$0x40];
	[tilespmem:s0+$0xFFFFFE40] =	vst v2;
	v2 =	vmul.f32 $4.525483320e+01, v3  }
0x127: {  	v11 =	vld [tilespmem:s0+$0xC0];
	v3 =	vmul.f32 $4.525483320e+01, v6;
	[tilespmem:s0+$0x30] =	vst v4  }
0x128: {  	v6 =	vld [tilespmem:s0+$0xFFFFFE50];
	[tilespmem:s0+$0x130] =	vst v2;
	v2 =	vmul.f32 $4.525483320e+01, v10  }
0x129: {  	v4 =	vld [tilespmem:s0+$0x140];
	[tilespmem:s0+$0x1B0] =	vst v3;
	v3 =	vmul.f32 $4.525483320e+01, v7  }
0x12a: {  	v5 =	vld [tilespmem:s0+$0x1C0];
	[tilespmem:s0+$0xFFFFFEC0] =	vst v2;
	v2 =	vmul.f32 $4.525483320e+01, v8  }
0x12b: {  	v7 =	vld [tilespmem:s0+$0xFFFFFED0];
	[tilespmem:s0+$0xFFFFFF40] =	vst v3;
	v3 =	vmul.f32 $4.525483320e+01, v9  }
0x12c: {  	v8 =	vld [tilespmem:s0+$0xFFFFFF50];
	[tilespmem:s0+$0xFFFFFFC0] =	vst v2;
	v2 =	vmul.f32 $4.525483320e+01, v11  }
0x12d: {  	v9 =	vld [tilespmem:s0+$0xFFFFFFD0];
	[tilespmem:s0+$0x40] =	vst v3;
	v3 =	vmul.f32 $4.525483320e+01, v6  }
0x12e: {  	v10 =	vld [tilespmem:s0+$0x50];
	v4 =	vmul.f32 $4.525483320e+01, v4;
	[tilespmem:s0+$0xC0] =	vst v2  }
0x12f: {  	v6 =	vld [tilespmem:s0+$0xD0];
	[tilespmem:s0+$0xFFFFFE50] =	vst v3;
	v3 =	vmul.f32 $4.525483320e+01, v5  }
0x130: {  	v2 =	vld [tilespmem:s0+$0x150];
	[tilespmem:s0+$0x140] =	vst v4;
	v4 =	vmul.f32 $4.525483320e+01, v7  }
0x131: {  	v5 =	vld [tilespmem:s0+$0x1D0];
	[tilespmem:s0+$0x1C0] =	vst v3;
	v3 =	vmul.f32 $4.525483320e+01, v8  }
0x132: {  	v7 =	vld [tilespmem:s0+$0xFFFFFE60];
	[tilespmem:s0+$0xFFFFFED0] =	vst v4;
	v4 =	vmul.f32 $4.525483320e+01, v9  }
0x133: {  	v8 =	vld [tilespmem:s0+$0xFFFFFEE0];
	[tilespmem:s0+$0xFFFFFF50] =	vst v3;
	v3 =	vmul.f32 $4.525483320e+01, v10  }
0x134: {  	v9 =	vld [tilespmem:s0+$0xFFFFFF60];
	[tilespmem:s0+$0xFFFFFFD0] =	vst v4;
	v4 =	vmul.f32 $4.525483320e+01, v6  }
0x135: {  	v6 =	vld [tilespmem:s0+$0xFFFFFFE0];
	v2 =	vmul.f32 $4.525483320e+01, v2;
	[tilespmem:s0+$0x50] =	vst v3  }
0x136: {  	v5 =	vmul.f32 $4.525483320e+01, v5;
	v3 =	vld [tilespmem:s0+$0x60];
	[tilespmem:s0+$0xD0] =	vst v4  }
0x137: {  	v4 =	vmul.f32 $4.525483320e+01, v7;
	v7 =	vld [tilespmem:s0+$0xE0];
	[tilespmem:s0+$0x150] =	vst v2  }
0x138: {  	v2 =	vld [tilespmem:s0+$0x160];
	v8 =	vmul.f32 $4.525483320e+01, v8;
	[tilespmem:s0+$0x1D0] =	vst v5  }
0x139: {  	v5 =	vld [tilespmem:s0+$0x1E0];
	[tilespmem:s0+$0xFFFFFE60] =	vst v4;
	v4 =	vmul.f32 $4.525483320e+01, v9  }
0x13a: {  	[tilespmem:s0+$0xFFFFFEE0] =	vst v8;
	v6 =	vmul.f32 $4.525483320e+01, v6;
	v8 =	vld [tilespmem:s0+$0xFFFFFE70]  }
0x13b: {  	v9 =	vld [tilespmem:s0+$0xFFFFFEF0];
	[tilespmem:s0+$0xFFFFFF60] =	vst v4;
	v3 =	vmul.f32 $4.525483320e+01, v3  }
0x13c: {  	v10 =	vld [tilespmem:s0+$0xFFFFFF70];
	[tilespmem:s0+$0xFFFFFFE0] =	vst v6;
	v4 =	vmul.f32 $4.525483320e+01, v7  }
0x13d: {  	v6 =	vmul.f32 $4.525483320e+01, v2;
	v2 =	vld [tilespmem:s0+$0xFFFFFFF0];
	[tilespmem:s0+$0x60] =	vst v3  }
0x13e: {  	v5 =	vmul.f32 $4.525483320e+01, v5;
	[tilespmem:s0+$0xE0] =	vst v4;
	v3 =	vld [tilespmem:s0+$0x70]  }
0x13f: {  	[tilespmem:s0+$0x160] =	vst v6;
	v4 =	vld [tilespmem:s0+$0xF0];
	v8 =	vmul.f32 $4.525483320e+01, v8  }
0x140: {  	v7 =	vmul.f32 $4.525483320e+01, v9;
	[tilespmem:s0+$0x1E0] =	vst v5;
	v5 =	vld [tilespmem:s0+$0x170]  }
0x141: {  	s6 =	simm.s32 $0x4A00;
	s19 =	simm.s32 $0x0;
	v6 =	vld [tilespmem:s0+$0xFFFFFE00];
	[tilespmem:s0+$0xFFFFFE70] =	vst v8;
	v8 =	vmul.f32 $4.525483320e+01, v10  }
.LBB2_5:
0x142: {  	v9 =	vld [tilespmem:s6+$0x1F0];
	s19 =	sadd.s32 $0x8, s19;
	[tilespmem:s0+$0xFFFFFEF0] =	vst v7;
	v2 =	vmul.f32 $4.525483320e+01, v2  }
0x143: {  	v7 =	vld [tilespmem:s6+$0xFFFFFE80];
	p0 =	slt.u32 s19, $0x78;
	[tilespmem:s0+$0xFFFFFF70] =	vst v8;
	v3 =	vmul.f32 $4.525483320e+01, v3  }
0x144: {  	v8 =	vld [tilespmem:s6+$0xFFFFFF00];
	[tilespmem:s0+$0xFFFFFFF0] =	vst v2;
	v2 =	vmul.f32 $4.525483320e+01, v4  }
0x145: {  	v4 =	vld [tilespmem:s6+$0xFFFFFF80];
	[tilespmem:s0+$0x70] =	vst v3;
	v3 =	vmul.f32 $4.525483320e+01, v5  }
0x146: {  	v5 =	vld [tilespmem:s6+$0x0];
	v6 =	vmul.f32 $4.525483320e+01, v6;
	[tilespmem:s0+$0xF0] =	vst v2  }
0x147: {  	v2 =	vld [tilespmem:s6+$0x80];
	v9 =	vmul.f32 $4.525483320e+01, v9;
	[tilespmem:s0+$0x170] =	vst v3  }
0x148: {  	v3 =	vmul.f32 $4.525483320e+01, v7;
	v7 =	vld [tilespmem:s6+$0x100];
	[tilespmem:s0+$0xFFFFFE00] =	vst v6;
	s0 =	smov.u32 s6  }
0x149: {  	v6 =	vmul.f32 $4.525483320e+01, v8;
	v8 =	vld [tilespmem:s6+$0x180];
	[tilespmem:s6+$0x1F0] =	vst v9  }
0x14a: {  	[tilespmem:s6+$0xFFFFFE80] =	vst v3;
	v3 =	vmul.f32 $4.525483320e+01, v4;
	v4 =	vld [tilespmem:s6+$0xFFFFFE10]  }
0x14b: {  	[tilespmem:s6+$0xFFFFFF00] =	vst v6;
	v5 =	vmul.f32 $4.525483320e+01, v5;
	v6 =	vld [tilespmem:s6+$0xFFFFFE90]  }
0x14c: {  	[tilespmem:s6+$0xFFFFFF80] =	vst v3;
	v2 =	vmul.f32 $4.525483320e+01, v2;
	v3 =	vld [tilespmem:s6+$0xFFFFFF10]  }
0x14d: {  	[tilespmem:s6+$0x0] =	vst v5;
	v5 =	vmul.f32 $4.525483320e+01, v7;
	v7 =	vld [tilespmem:s6+$0xFFFFFF90]  }
0x14e: {  	[tilespmem:s6+$0x80] =	vst v2;
	v2 =	vmul.f32 $4.525483320e+01, v8;
	v8 =	vld [tilespmem:s6+$0x10]  }
0x14f: {  	[tilespmem:s6+$0x100] =	vst v5;
	v4 =	vmul.f32 $4.525483320e+01, v4;
	v5 =	vld [tilespmem:s6+$0x90]  }
0x150: {  	[tilespmem:s6+$0x180] =	vst v2;
	v2 =	vmul.f32 $4.525483320e+01, v6;
	v6 =	vld [tilespmem:s6+$0x110]  }
0x151: {  	[tilespmem:s6+$0xFFFFFE10] =	vst v4;
	v3 =	vmul.f32 $4.525483320e+01, v3;
	v4 =	vld [tilespmem:s6+$0x190]  }
0x152: {  	[tilespmem:s6+$0xFFFFFE90] =	vst v2;
	v2 =	vmul.f32 $4.525483320e+01, v7;
	v7 =	vld [tilespmem:s6+$0xFFFFFE20]  }
0x153: {  	[tilespmem:s6+$0xFFFFFF10] =	vst v3;
	v3 =	vmul.f32 $4.525483320e+01, v8;
	v8 =	vld [tilespmem:s6+$0xFFFFFEA0]  }
0x154: {  	[tilespmem:s6+$0xFFFFFF90] =	vst v2;
	v2 =	vmul.f32 $4.525483320e+01, v5;
	v5 =	vld [tilespmem:s6+$0xFFFFFF20]  }
0x155: {  	[tilespmem:s6+$0x10] =	vst v3;
	v3 =	vmul.f32 $4.525483320e+01, v6;
	v6 =	vld [tilespmem:s6+$0xFFFFFFA0]  }
0x156: {  	[tilespmem:s6+$0x90] =	vst v2;
	v2 =	vmul.f32 $4.525483320e+01, v4;
	v4 =	vld [tilespmem:s6+$0x20]  }
0x157: {  	[tilespmem:s6+$0x110] =	vst v3;
	v3 =	vmul.f32 $4.525483320e+01, v7;
	v7 =	vld [tilespmem:s6+$0xA0]  }
0x158: {  	[tilespmem:s6+$0x190] =	vst v2;
	v2 =	vmul.f32 $4.525483320e+01, v8;
	v8 =	vld [tilespmem:s6+$0x120]  }
0x159: {  	[tilespmem:s6+$0xFFFFFE20] =	vst v3;
	v3 =	vmul.f32 $4.525483320e+01, v5;
	v5 =	vld [tilespmem:s6+$0x1A0]  }
0x15a: {  	[tilespmem:s6+$0xFFFFFEA0] =	vst v2;
	v2 =	vmul.f32 $4.525483320e+01, v6;
	v6 =	vld [tilespmem:s6+$0xFFFFFE30]  }
0x15b: {  	[tilespmem:s6+$0xFFFFFF20] =	vst v3;
	v3 =	vmul.f32 $4.525483320e+01, v4;
	v4 =	vld [tilespmem:s6+$0xFFFFFEB0]  }
0x15c: {  	[tilespmem:s6+$0xFFFFFFA0] =	vst v2;
	v2 =	vmul.f32 $4.525483320e+01, v7;
	v7 =	vld [tilespmem:s6+$0xFFFFFF30]  }
0x15d: {  	[tilespmem:s6+$0x20] =	vst v3;
	v3 =	vmul.f32 $4.525483320e+01, v8;
	v8 =	vld [tilespmem:s6+$0xFFFFFFB0]  }
0x15e: {  	[tilespmem:s6+$0xA0] =	vst v2;
	v2 =	vmul.f32 $4.525483320e+01, v5;
	v5 =	vld [tilespmem:s6+$0x30]  }
0x15f: {  	[tilespmem:s6+$0x120] =	vst v3;
	v3 =	vmul.f32 $4.525483320e+01, v6;
	v6 =	vld [tilespmem:s6+$0xB0]  }
0x160: {  	[tilespmem:s6+$0x1A0] =	vst v2;
	v2 =	vmul.f32 $4.525483320e+01, v4;
	v4 =	vld [tilespmem:s6+$0x130]  }
0x161: {  	[tilespmem:s6+$0xFFFFFE30] =	vst v3;
	v3 =	vmul.f32 $4.525483320e+01, v7;
	v7 =	vld [tilespmem:s6+$0x1B0]  }
0x162: {  	[tilespmem:s6+$0xFFFFFEB0] =	vst v2;
	v2 =	vmul.f32 $4.525483320e+01, v8;
	v8 =	vld [tilespmem:s6+$0xFFFFFE40]  }
0x163: {  	[tilespmem:s6+$0xFFFFFF30] =	vst v3;
	v3 =	vmul.f32 $4.525483320e+01, v5;
	v5 =	vld [tilespmem:s6+$0xFFFFFEC0]  }
0x164: {  	[tilespmem:s6+$0xFFFFFFB0] =	vst v2;
	v2 =	vmul.f32 $4.525483320e+01, v6;
	v6 =	vld [tilespmem:s6+$0xFFFFFF40]  }
0x165: {  	[tilespmem:s6+$0x30] =	vst v3;
	v3 =	vmul.f32 $4.525483320e+01, v4;
	v4 =	vld [tilespmem:s6+$0xFFFFFFC0]  }
0x166: {  	[tilespmem:s6+$0xB0] =	vst v2;
	v2 =	vmul.f32 $4.525483320e+01, v7;
	v7 =	vld [tilespmem:s6+$0x40]  }
0x167: {  	[tilespmem:s6+$0x130] =	vst v3;
	v3 =	vmul.f32 $4.525483320e+01, v8;
	v8 =	vld [tilespmem:s6+$0xC0]  }
0x168: {  	[tilespmem:s6+$0x1B0] =	vst v2;
	v2 =	vmul.f32 $4.525483320e+01, v5;
	v5 =	vld [tilespmem:s6+$0x140]  }
0x169: {  	[tilespmem:s6+$0xFFFFFE40] =	vst v3;
	v3 =	vmul.f32 $4.525483320e+01, v6;
	v6 =	vld [tilespmem:s6+$0x1C0]  }
0x16a: {  	[tilespmem:s6+$0xFFFFFEC0] =	vst v2;
	v2 =	vmul.f32 $4.525483320e+01, v4;
	v4 =	vld [tilespmem:s6+$0xFFFFFE50]  }
0x16b: {  	[tilespmem:s6+$0xFFFFFF40] =	vst v3;
	v3 =	vmul.f32 $4.525483320e+01, v7;
	v7 =	vld [tilespmem:s6+$0xFFFFFED0]  }
0x16c: {  	[tilespmem:s6+$0xFFFFFFC0] =	vst v2;
	v2 =	vmul.f32 $4.525483320e+01, v8;
	v8 =	vld [tilespmem:s6+$0xFFFFFF50]  }
0x16d: {  	[tilespmem:s6+$0x40] =	vst v3;
	v3 =	vmul.f32 $4.525483320e+01, v5;
	v5 =	vld [tilespmem:s6+$0xFFFFFFD0]  }
0x16e: {  	[tilespmem:s6+$0xC0] =	vst v2;
	v2 =	vmul.f32 $4.525483320e+01, v6;
	v6 =	vld [tilespmem:s6+$0x50]  }
0x16f: {  	[tilespmem:s6+$0x140] =	vst v3;
	v3 =	vmul.f32 $4.525483320e+01, v4;
	v4 =	vld [tilespmem:s6+$0xD0]  }
0x170: {  	[tilespmem:s6+$0x1C0] =	vst v2;
	v2 =	vmul.f32 $4.525483320e+01, v7;
	v7 =	vld [tilespmem:s6+$0x150]  }
0x171: {  	[tilespmem:s6+$0xFFFFFE50] =	vst v3;
	v3 =	vmul.f32 $4.525483320e+01, v8;
	v8 =	vld [tilespmem:s6+$0x1D0]  }
0x172: {  	[tilespmem:s6+$0xFFFFFED0] =	vst v2;
	v2 =	vmul.f32 $4.525483320e+01, v5;
	v5 =	vld [tilespmem:s6+$0xFFFFFE60]  }
0x173: {  	[tilespmem:s6+$0xFFFFFF50] =	vst v3;
	v3 =	vmul.f32 $4.525483320e+01, v6;
	v6 =	vld [tilespmem:s6+$0xFFFFFEE0]  }
0x174: {  	[tilespmem:s6+$0xFFFFFFD0] =	vst v2;
	v2 =	vmul.f32 $4.525483320e+01, v4;
	v4 =	vld [tilespmem:s6+$0xFFFFFF60]  }
0x175: {  	[tilespmem:s6+$0x50] =	vst v3;
	v3 =	vmul.f32 $4.525483320e+01, v7;
	v7 =	vld [tilespmem:s6+$0xFFFFFFE0]  }
0x176: {  	[tilespmem:s6+$0xD0] =	vst v2;
	v2 =	vmul.f32 $4.525483320e+01, v8;
	v8 =	vld [tilespmem:s6+$0x60]  }
0x177: {  	[tilespmem:s6+$0x150] =	vst v3;
	v3 =	vmul.f32 $4.525483320e+01, v5;
	v5 =	vld [tilespmem:s6+$0xE0]  }
0x178: {  	[tilespmem:s6+$0x1D0] =	vst v2;
	v2 =	vmul.f32 $4.525483320e+01, v6;
	v6 =	vld [tilespmem:s6+$0x160]  }
0x179: {  	[tilespmem:s6+$0xFFFFFE60] =	vst v3;
	v3 =	vmul.f32 $4.525483320e+01, v4;
	v4 =	vld [tilespmem:s6+$0x1E0]  }
0x17a: {  	[tilespmem:s6+$0xFFFFFEE0] =	vst v2;
	v2 =	vmul.f32 $4.525483320e+01, v7;
	v7 =	vld [tilespmem:s6+$0xFFFFFE70]  }
0x17b: {  	[tilespmem:s6+$0xFFFFFF60] =	vst v3;
	v3 =	vmul.f32 $4.525483320e+01, v8;
	v8 =	vld [tilespmem:s6+$0xFFFFFEF0]  }
0x17c: {  	[tilespmem:s6+$0xFFFFFFE0] =	vst v2;
	v5 =	vmul.f32 $4.525483320e+01, v5;
	v9 =	vld [tilespmem:s6+$0xFFFFFF70]  }
.Ltmp1:
0x17d: {  	[tilespmem:s6+$0x60] =	vst v3;
	v6 =	vmul.f32 $4.525483320e+01, v6;
	v2 =	vld [tilespmem:s6+$0xFFFFFFF0];
	(pc) =	sbr.rel @p0 .LBB2_5-.Ltmp1, $4  }
0x17e: {  	[tilespmem:s6+$0xE0] =	vst v5;
	v5 =	vmul.f32 $4.525483320e+01, v4;
	v3 =	vld [tilespmem:s6+$0x70]  }
0x17f: {  	[tilespmem:s6+$0x160] =	vst v6;
	v10 =	vmul.f32 $4.525483320e+01, v7;
	v4 =	vld [tilespmem:s6+$0xF0]  }
0x180: {  	[tilespmem:s6+$0x1E0] =	vst v5;
	v7 =	vmul.f32 $4.525483320e+01, v8;
	v5 =	vld [tilespmem:s6+$0x170]  }
0x181: {  	s6 =	sadd.s32 $0x400, s6;
	v6 =	vld [tilespmem:s0+$0xFFFFFE00];
	[tilespmem:s0+$0xFFFFFE70] =	vst v10;
	v8 =	vmul.f32 $4.525483320e+01, v9  }
0x182: {  	[tilespmem:s0+$0xFFFFFEF0] =	vst v7;
	v2 =	vmul.f32 $4.525483320e+01, v2  }
0x183: {  	[tilespmem:s0+$0xFFFFFF70] =	vst v8;
	v3 =	vmul.f32 $4.525483320e+01, v3  }
0x184: {  	[tilespmem:s0+$0xFFFFFFF0] =	vst v2;
	v2 =	vmul.f32 $4.525483320e+01, v4  }
0x185: {  	[tilespmem:s0+$0x70] =	vst v3;
	v3 =	vmul.f32 $4.525483320e+01, v5  }
0x186: {  	v4 =	vmul.f32 $4.525483320e+01, v6;
	[tilespmem:s0+$0xF0] =	vst v2  }
0x187: {  	p0 =	seq.s32 s25, $0x1F;
	[tilespmem:s0+$0x170] =	vst v3  }
0x188: {  	s19 =	sadd.s32 s16, s1;
	[tilespmem:s0+$0xFFFFFE00] =	vst v4;
	s0 =	simm.s32 @!p0 $0x5  }
0x189: {  	[hbm4b:s19+s4] =	stream.linear.scatter [tilespmem:s26], [sflag:$0x6], $0x4000, $0x38;
	[tilespmem:$0x10400] =	vst v63  }
0x18a: {  	_ =	swait.ge @!p0 [sflag:s0], $0x4000  }
0x18b: {  	s1 =	sshll.u32 @!p0 s25, $0x5;
	[sflag:s0] =	ssyncset.done @!p0 $0x0  }
0x18c: {  	[sflag:s0] =	ssyncadd.s32 @!p0 $0xFFFFC000;
	s0 =	sand.u32 @!p0 $0x3FFFFFE0, s1  }
0x18d: {  	v2 =	vld.msk @!p0 [tilespmem:s0+$0x20], $0xff;
	_ =	sdelay $0x4  }
0x18e: {  	v3 =	vshll.u32 @!p0 v2, $0x4  }
0x18f: {  	v4 =	vlaneseq.u32 @!p0;
	v2 =	vand.u32 @!p0 $0x7, v2;
	v3 =	vand.u32 @!p0 $0xFFFFFF80, v3  }
0x190: {  	v2 =	vor.u32 @!p0 v2, v3;
	v3 =	vand.u32 @!p0 $0x7, v4;
	v4 =	vshrl.u32 @!p0 v4, $0x3  }
0x191: {  	v2 =	vperm.xlane @!p0 v2, v3;
	v3 =	vmul.u32 @!p0 $0x8, v4;
	_ =	sdelay $0x1  }
0x192: {  	v2 =	vadd.s32 @!p0 v3, v2;
	_ =	sdelay $0x3  }
0x193: {  	vm1 =	vmmov @!p0 $0xffff;
	s6 =	simm.s32 @!p0 $0x400;
	s1 =	simm.s32 @!p0 $0x0  }
0x194: {  	[tilespmem:s6], [sflag:$0x1] =	stream.indirect_vreg.gather @!p0 [hbm4b:s2+s1], $0x80, v2, vm1, $0xb8;
	[tilespmem:$0x10400] =	vst v63  }
0x195: {  	s6 =	simm.s32 @!p0 $0xC00  }
0x196: {  	[tilespmem:s6], [sflag:$0x1] =	stream.indirect_vreg.gather @!p0 [hbm4b:s7+s1], $0x80, v2, vm1, $0xb8;
	[tilespmem:$0x10400] =	vst v63  }
0x197: {  	s6 =	simm.s32 @!p0 $0x1400  }
0x198: {  	[tilespmem:s6], [sflag:$0x1] =	stream.indirect_vreg.gather @!p0 [hbm4b:s8+s1], $0x80, v2, vm1, $0xb8;
	[tilespmem:$0x10400] =	vst v63  }
0x199: {  	s6 =	simm.s32 @!p0 $0x1C00  }
0x19a: {  	[tilespmem:s6], [sflag:$0x1] =	stream.indirect_vreg.gather @!p0 [hbm4b:s9+s1], $0x80, v2, vm1, $0xb8;
	[tilespmem:$0x10400] =	vst v63  }
0x19b: {  	s6 =	simm.s32 @!p0 $0x2400  }
0x19c: {  	[tilespmem:s6], [sflag:$0x1] =	stream.indirect_vreg.gather @!p0 [hbm4b:s10+s1], $0x80, v2, vm1, $0xb8;
	[tilespmem:$0x10400] =	vst v63  }
0x19d: {  	s6 =	simm.s32 @!p0 $0x2C00  }
0x19e: {  	[tilespmem:s6], [sflag:$0x1] =	stream.indirect_vreg.gather @!p0 [hbm4b:s11+s1], $0x80, v2, vm1, $0xb8;
	[tilespmem:$0x10400] =	vst v63  }
0x19f: {  	s6 =	simm.s32 @!p0 $0x3400  }
0x1a0: {  	[tilespmem:s6], [sflag:$0x1] =	stream.indirect_vreg.gather @!p0 [hbm4b:s12+s1], $0x80, v2, vm1, $0xb8;
	[tilespmem:$0x10400] =	vst v63  }
0x1a1: {  	s6 =	simm.s32 @!p0 $0x3C00  }
0x1a2: {  	[tilespmem:s6], [sflag:$0x1] =	stream.indirect_vreg.gather @!p0 [hbm4b:s14+s1], $0x80, v2, vm1, $0xb8;
	[tilespmem:$0x10400] =	vst v63  }
0x1a3: {  	_ =	swait.ge [sflag:s23], $0x4000  }
0x1a4: {  	[sflag:s23] =	ssyncset.done $0x0  }
0x1a5: {  	s1 =	simm.s32 $0x8600;
	[sflag:s23] =	ssyncadd.s32 $0xFFFFC000  }
0x1a6: {  	v2 =	vld [tilespmem:s1+$0x1F0]  }
0x1a7: {  	v3 =	vld [tilespmem:s1+$0xFFFFFE80]  }
0x1a8: {  	v4 =	vld [tilespmem:s1+$0xFFFFFF00]  }
0x1a9: {  	v13 =	vld [tilespmem:s1+$0xFFFFFF90]  }
0x1aa: {  	v10 =	vld [tilespmem:s1+$0xFFFFFE10]  }
0x1ab: {  	v6 =	vld [tilespmem:s1+$0x0];
	v2 =	vmul.f32 $4.525483320e+01, v2  }
0x1ac: {  	v5 =	vld [tilespmem:s1+$0xFFFFFF80];
	v3 =	vmul.f32 $4.525483320e+01, v3  }
0x1ad: {  	v8 =	vld [tilespmem:s1+$0x100];
	v4 =	vmul.f32 $4.525483320e+01, v4;
	[tilespmem:s1+$0x1F0] =	vst v2  }
0x1ae: {  	v7 =	vld [tilespmem:s1+$0x80];
	v62 =	vmul.f32 $4.525483320e+01, v13;
	[tilespmem:s1+$0xFFFFFE80] =	vst v3  }
0x1af: {  	v11 =	vld [tilespmem:s1+$0xFFFFFE90];
	v2 =	vmul.f32 $4.525483320e+01, v10;
	[tilespmem:s1+$0xFFFFFF00] =	vst v4  }
0x1b0: {  	v3 =	vld [tilespmem:s1+$0x110];
	v4 =	vmul.f32 $4.525483320e+01, v6;
	[tilespmem:s1+$0xFFFFFF90] =	vst v62  }
0x1b1: {  	v9 =	vld [tilespmem:s1+$0x180];
	[tilespmem:s1+$0xFFFFFE10] =	vst v2;
	v2 =	vmul.f32 $4.525483320e+01, v5  }
0x1b2: {  	v6 =	vld [tilespmem:s1+$0xFFFFFE20];
	[tilespmem:s1+$0x0] =	vst v4;
	v4 =	vmul.f32 $4.525483320e+01, v8  }
0x1b3: {  	v5 =	vld [tilespmem:s1+$0x190];
	[tilespmem:s1+$0xFFFFFF80] =	vst v2;
	v2 =	vmul.f32 $4.525483320e+01, v7  }
0x1b4: {  	v14 =	vld [tilespmem:s1+$0x10];
	[tilespmem:s1+$0x100] =	vst v4;
	v4 =	vmul.f32 $4.525483320e+01, v11  }
0x1b5: {  	v12 =	vld [tilespmem:s1+$0xFFFFFF10];
	v3 =	vmul.f32 $4.525483320e+01, v3;
	[tilespmem:s1+$0x80] =	vst v2  }
0x1b6: {  	v8 =	vld [tilespmem:s1+$0xFFFFFF20];
	v2 =	vmul.f32 $4.525483320e+01, v9;
	[tilespmem:s1+$0xFFFFFE90] =	vst v4  }
0x1b7: {  	v10 =	vld [tilespmem:s1+$0x90];
	v4 =	vmul.f32 $4.525483320e+01, v6;
	[tilespmem:s1+$0x110] =	vst v3  }
0x1b8: {  	v7 =	vld [tilespmem:s1+$0xFFFFFEA0];
	v5 =	vmul.f32 $4.525483320e+01, v5;
	[tilespmem:s1+$0x180] =	vst v2  }
0x1b9: {  	v11 =	vld [tilespmem:s1+$0x20];
	[tilespmem:s1+$0xFFFFFE20] =	vst v4;
	v4 =	vmul.f32 $4.525483320e+01, v14  }
0x1ba: {  	v9 =	vld [tilespmem:s1+$0xFFFFFFA0];
	v2 =	vmul.f32 $4.525483320e+01, v12;
	[tilespmem:s1+$0x190] =	vst v5  }
0x1bb: {  	v5 =	vmul.f32 $4.525483320e+01, v8;
	[tilespmem:s1+$0x10] =	vst v4;
	v4 =	vld [tilespmem:s1+$0xFFFFFE30]  }
0x1bc: {  	v10 =	vmul.f32 $4.525483320e+01, v10;
	[tilespmem:s1+$0xFFFFFF10] =	vst v2;
	v2 =	vld [tilespmem:s1+$0x120]  }
0x1bd: {  	v3 =	vmul.f32 $4.525483320e+01, v7;
	[tilespmem:s1+$0xFFFFFF20] =	vst v5;
	v5 =	vld [tilespmem:s1+$0xB0]  }
0x1be: {  	v6 =	vld [tilespmem:s1+$0xA0];
	[tilespmem:s1+$0x90] =	vst v10;
	v11 =	vmul.f32 $4.525483320e+01, v11  }
0x1bf: {  	v10 =	vld [tilespmem:s1+$0xFFFFFEB0];
	[tilespmem:s1+$0xFFFFFEA0] =	vst v3;
	v3 =	vmul.f32 $4.525483320e+01, v9  }
0x1c0: {  	v63 =	vld [tilespmem:s1+$0x1A0];
	[tilespmem:s1+$0x20] =	vst v11;
	v4 =	vmul.f32 $4.525483320e+01, v4  }
0x1c1: {  	v8 =	vld [tilespmem:s1+$0xFFFFFFB0];
	[tilespmem:s1+$0xFFFFFFA0] =	vst v3;
	v2 =	vmul.f32 $4.525483320e+01, v2  }
0x1c2: {  	v7 =	vld [tilespmem:s1+$0xFFFFFF30];
	v5 =	vmul.f32 $4.525483320e+01, v5;
	[tilespmem:s1+$0xFFFFFE30] =	vst v4  }
0x1c3: {  	v11 =	vld [tilespmem:s1+$0xFFFFFE40];
	v4 =	vmul.f32 $4.525483320e+01, v6;
	[tilespmem:s1+$0x120] =	vst v2  }
0x1c4: {  	v9 =	vld [tilespmem:s1+$0x30];
	v2 =	vmul.f32 $4.525483320e+01, v10;
	[tilespmem:s1+$0xB0] =	vst v5  }
0x1c5: {  	v3 =	vld [tilespmem:s1+$0x130];
	[tilespmem:s1+$0xA0] =	vst v4;
	v4 =	vmul.f32 $4.525483320e+01, v63  }
0x1c6: {  	v6 =	vld [tilespmem:s1+$0x1B0];
	[tilespmem:s1+$0xFFFFFEB0] =	vst v2;
	v2 =	vmul.f32 $4.525483320e+01, v8  }
0x1c7: {  	v10 =	vld [tilespmem:s1+$0xFFFFFEC0];
	[tilespmem:s1+$0x1A0] =	vst v4;
	v4 =	vmul.f32 $4.525483320e+01, v7  }
0x1c8: {  	v7 =	vld [tilespmem:s1+$0xFFFFFF40];
	[tilespmem:s1+$0xFFFFFFB0] =	vst v2;
	v2 =	vmul.f32 $4.525483320e+01, v11  }
0x1c9: {  	v8 =	vld [tilespmem:s1+$0xFFFFFFC0];
	[tilespmem:s1+$0xFFFFFF30] =	vst v4;
	v4 =	vmul.f32 $4.525483320e+01, v9  }
0x1ca: {  	v9 =	vld [tilespmem:s1+$0x40];
	[tilespmem:s1+$0xFFFFFE40] =	vst v2;
	v2 =	vmul.f32 $4.525483320e+01, v3  }
0x1cb: {  	v11 =	vld [tilespmem:s1+$0xC0];
	v3 =	vmul.f32 $4.525483320e+01, v6;
	[tilespmem:s1+$0x30] =	vst v4  }
0x1cc: {  	v6 =	vld [tilespmem:s1+$0xFFFFFE50];
	[tilespmem:s1+$0x130] =	vst v2;
	v2 =	vmul.f32 $4.525483320e+01, v10  }
0x1cd: {  	v4 =	vld [tilespmem:s1+$0x140];
	[tilespmem:s1+$0x1B0] =	vst v3;
	v3 =	vmul.f32 $4.525483320e+01, v7  }
0x1ce: {  	v5 =	vld [tilespmem:s1+$0x1C0];
	[tilespmem:s1+$0xFFFFFEC0] =	vst v2;
	v2 =	vmul.f32 $4.525483320e+01, v8  }
0x1cf: {  	v7 =	vld [tilespmem:s1+$0xFFFFFED0];
	[tilespmem:s1+$0xFFFFFF40] =	vst v3;
	v3 =	vmul.f32 $4.525483320e+01, v9  }
0x1d0: {  	v8 =	vld [tilespmem:s1+$0xFFFFFF50];
	[tilespmem:s1+$0xFFFFFFC0] =	vst v2;
	v2 =	vmul.f32 $4.525483320e+01, v11  }
0x1d1: {  	v9 =	vld [tilespmem:s1+$0xFFFFFFD0];
	[tilespmem:s1+$0x40] =	vst v3;
	v3 =	vmul.f32 $4.525483320e+01, v6  }
0x1d2: {  	v10 =	vld [tilespmem:s1+$0x50];
	v4 =	vmul.f32 $4.525483320e+01, v4;
	[tilespmem:s1+$0xC0] =	vst v2  }
0x1d3: {  	v6 =	vld [tilespmem:s1+$0xD0];
	[tilespmem:s1+$0xFFFFFE50] =	vst v3;
	v3 =	vmul.f32 $4.525483320e+01, v5  }
0x1d4: {  	v2 =	vld [tilespmem:s1+$0x150];
	[tilespmem:s1+$0x140] =	vst v4;
	v4 =	vmul.f32 $4.525483320e+01, v7  }
0x1d5: {  	v5 =	vld [tilespmem:s1+$0x1D0];
	[tilespmem:s1+$0x1C0] =	vst v3;
	v3 =	vmul.f32 $4.525483320e+01, v8  }
0x1d6: {  	v7 =	vld [tilespmem:s1+$0xFFFFFE60];
	[tilespmem:s1+$0xFFFFFED0] =	vst v4;
	v4 =	vmul.f32 $4.525483320e+01, v9  }
0x1d7: {  	v8 =	vld [tilespmem:s1+$0xFFFFFEE0];
	[tilespmem:s1+$0xFFFFFF50] =	vst v3;
	v3 =	vmul.f32 $4.525483320e+01, v10  }
0x1d8: {  	v9 =	vld [tilespmem:s1+$0xFFFFFF60];
	[tilespmem:s1+$0xFFFFFFD0] =	vst v4;
	v4 =	vmul.f32 $4.525483320e+01, v6  }
0x1d9: {  	v6 =	vld [tilespmem:s1+$0xFFFFFFE0];
	v2 =	vmul.f32 $4.525483320e+01, v2;
	[tilespmem:s1+$0x50] =	vst v3  }
0x1da: {  	v5 =	vmul.f32 $4.525483320e+01, v5;
	v3 =	vld [tilespmem:s1+$0x60];
	[tilespmem:s1+$0xD0] =	vst v4  }
0x1db: {  	v4 =	vmul.f32 $4.525483320e+01, v7;
	v7 =	vld [tilespmem:s1+$0xE0];
	[tilespmem:s1+$0x150] =	vst v2  }
0x1dc: {  	v2 =	vld [tilespmem:s1+$0x160];
	v8 =	vmul.f32 $4.525483320e+01, v8;
	[tilespmem:s1+$0x1D0] =	vst v5  }
0x1dd: {  	v5 =	vld [tilespmem:s1+$0x1E0];
	[tilespmem:s1+$0xFFFFFE60] =	vst v4;
	v4 =	vmul.f32 $4.525483320e+01, v9  }
0x1de: {  	[tilespmem:s1+$0xFFFFFEE0] =	vst v8;
	v6 =	vmul.f32 $4.525483320e+01, v6;
	v8 =	vld [tilespmem:s1+$0xFFFFFE70]  }
0x1df: {  	v9 =	vld [tilespmem:s1+$0xFFFFFEF0];
	[tilespmem:s1+$0xFFFFFF60] =	vst v4;
	v3 =	vmul.f32 $4.525483320e+01, v3  }
0x1e0: {  	v10 =	vld [tilespmem:s1+$0xFFFFFF70];
	[tilespmem:s1+$0xFFFFFFE0] =	vst v6;
	v4 =	vmul.f32 $4.525483320e+01, v7  }
0x1e1: {  	v6 =	vmul.f32 $4.525483320e+01, v2;
	v2 =	vld [tilespmem:s1+$0xFFFFFFF0];
	[tilespmem:s1+$0x60] =	vst v3  }
0x1e2: {  	v5 =	vmul.f32 $4.525483320e+01, v5;
	[tilespmem:s1+$0xE0] =	vst v4;
	v3 =	vld [tilespmem:s1+$0x70]  }
0x1e3: {  	[tilespmem:s1+$0x160] =	vst v6;
	v4 =	vld [tilespmem:s1+$0xF0];
	v8 =	vmul.f32 $4.525483320e+01, v8  }
0x1e4: {  	v7 =	vmul.f32 $4.525483320e+01, v9;
	[tilespmem:s1+$0x1E0] =	vst v5;
	v5 =	vld [tilespmem:s1+$0x170]  }
0x1e5: {  	s19 =	simm.s32 $0x0;
	s6 =	simm.s32 $0x8A00;
	v6 =	vld [tilespmem:s1+$0xFFFFFE00];
	[tilespmem:s1+$0xFFFFFE70] =	vst v8;
	v8 =	vmul.f32 $4.525483320e+01, v10  }
.LBB2_7:
0x1e6: {  	v9 =	vld [tilespmem:s6+$0x1F0];
	s19 =	sadd.s32 $0x8, s19;
	[tilespmem:s1+$0xFFFFFEF0] =	vst v7;
	v2 =	vmul.f32 $4.525483320e+01, v2  }
0x1e7: {  	v7 =	vld [tilespmem:s6+$0xFFFFFE80];
	p1 =	slt.u32 s19, $0x78;
	[tilespmem:s1+$0xFFFFFF70] =	vst v8;
	v3 =	vmul.f32 $4.525483320e+01, v3  }
0x1e8: {  	v8 =	vld [tilespmem:s6+$0xFFFFFF00];
	[tilespmem:s1+$0xFFFFFFF0] =	vst v2;
	v2 =	vmul.f32 $4.525483320e+01, v4  }
0x1e9: {  	v4 =	vld [tilespmem:s6+$0xFFFFFF80];
	[tilespmem:s1+$0x70] =	vst v3;
	v3 =	vmul.f32 $4.525483320e+01, v5  }
0x1ea: {  	v5 =	vld [tilespmem:s6+$0x0];
	v6 =	vmul.f32 $4.525483320e+01, v6;
	[tilespmem:s1+$0xF0] =	vst v2  }
0x1eb: {  	v2 =	vld [tilespmem:s6+$0x80];
	v9 =	vmul.f32 $4.525483320e+01, v9;
	[tilespmem:s1+$0x170] =	vst v3  }
0x1ec: {  	v3 =	vmul.f32 $4.525483320e+01, v7;
	v7 =	vld [tilespmem:s6+$0x100];
	[tilespmem:s1+$0xFFFFFE00] =	vst v6;
	s1 =	smov.u32 s6  }
0x1ed: {  	v6 =	vmul.f32 $4.525483320e+01, v8;
	v8 =	vld [tilespmem:s6+$0x180];
	[tilespmem:s6+$0x1F0] =	vst v9  }
0x1ee: {  	[tilespmem:s6+$0xFFFFFE80] =	vst v3;
	v3 =	vmul.f32 $4.525483320e+01, v4;
	v4 =	vld [tilespmem:s6+$0xFFFFFE10]  }
0x1ef: {  	[tilespmem:s6+$0xFFFFFF00] =	vst v6;
	v5 =	vmul.f32 $4.525483320e+01, v5;
	v6 =	vld [tilespmem:s6+$0xFFFFFE90]  }
0x1f0: {  	[tilespmem:s6+$0xFFFFFF80] =	vst v3;
	v2 =	vmul.f32 $4.525483320e+01, v2;
	v3 =	vld [tilespmem:s6+$0xFFFFFF10]  }
0x1f1: {  	[tilespmem:s6+$0x0] =	vst v5;
	v5 =	vmul.f32 $4.525483320e+01, v7;
	v7 =	vld [tilespmem:s6+$0xFFFFFF90]  }
0x1f2: {  	[tilespmem:s6+$0x80] =	vst v2;
	v2 =	vmul.f32 $4.525483320e+01, v8;
	v8 =	vld [tilespmem:s6+$0x10]  }
0x1f3: {  	[tilespmem:s6+$0x100] =	vst v5;
	v4 =	vmul.f32 $4.525483320e+01, v4;
	v5 =	vld [tilespmem:s6+$0x90]  }
0x1f4: {  	[tilespmem:s6+$0x180] =	vst v2;
	v2 =	vmul.f32 $4.525483320e+01, v6;
	v6 =	vld [tilespmem:s6+$0x110]  }
0x1f5: {  	[tilespmem:s6+$0xFFFFFE10] =	vst v4;
	v3 =	vmul.f32 $4.525483320e+01, v3;
	v4 =	vld [tilespmem:s6+$0x190]  }
0x1f6: {  	[tilespmem:s6+$0xFFFFFE90] =	vst v2;
	v2 =	vmul.f32 $4.525483320e+01, v7;
	v7 =	vld [tilespmem:s6+$0xFFFFFE20]  }
0x1f7: {  	[tilespmem:s6+$0xFFFFFF10] =	vst v3;
	v3 =	vmul.f32 $4.525483320e+01, v8;
	v8 =	vld [tilespmem:s6+$0xFFFFFEA0]  }
0x1f8: {  	[tilespmem:s6+$0xFFFFFF90] =	vst v2;
	v2 =	vmul.f32 $4.525483320e+01, v5;
	v5 =	vld [tilespmem:s6+$0xFFFFFF20]  }
0x1f9: {  	[tilespmem:s6+$0x10] =	vst v3;
	v3 =	vmul.f32 $4.525483320e+01, v6;
	v6 =	vld [tilespmem:s6+$0xFFFFFFA0]  }
0x1fa: {  	[tilespmem:s6+$0x90] =	vst v2;
	v2 =	vmul.f32 $4.525483320e+01, v4;
	v4 =	vld [tilespmem:s6+$0x20]  }
0x1fb: {  	[tilespmem:s6+$0x110] =	vst v3;
	v3 =	vmul.f32 $4.525483320e+01, v7;
	v7 =	vld [tilespmem:s6+$0xA0]  }
0x1fc: {  	[tilespmem:s6+$0x190] =	vst v2;
	v2 =	vmul.f32 $4.525483320e+01, v8;
	v8 =	vld [tilespmem:s6+$0x120]  }
0x1fd: {  	[tilespmem:s6+$0xFFFFFE20] =	vst v3;
	v3 =	vmul.f32 $4.525483320e+01, v5;
	v5 =	vld [tilespmem:s6+$0x1A0]  }
0x1fe: {  	[tilespmem:s6+$0xFFFFFEA0] =	vst v2;
	v2 =	vmul.f32 $4.525483320e+01, v6;
	v6 =	vld [tilespmem:s6+$0xFFFFFE30]  }
0x1ff: {  	[tilespmem:s6+$0xFFFFFF20] =	vst v3;
	v3 =	vmul.f32 $4.525483320e+01, v4;
	v4 =	vld [tilespmem:s6+$0xFFFFFEB0]  }
0x200: {  	[tilespmem:s6+$0xFFFFFFA0] =	vst v2;
	v2 =	vmul.f32 $4.525483320e+01, v7;
	v7 =	vld [tilespmem:s6+$0xFFFFFF30]  }
0x201: {  	[tilespmem:s6+$0x20] =	vst v3;
	v3 =	vmul.f32 $4.525483320e+01, v8;
	v8 =	vld [tilespmem:s6+$0xFFFFFFB0]  }
0x202: {  	[tilespmem:s6+$0xA0] =	vst v2;
	v2 =	vmul.f32 $4.525483320e+01, v5;
	v5 =	vld [tilespmem:s6+$0x30]  }
0x203: {  	[tilespmem:s6+$0x120] =	vst v3;
	v3 =	vmul.f32 $4.525483320e+01, v6;
	v6 =	vld [tilespmem:s6+$0xB0]  }
0x204: {  	[tilespmem:s6+$0x1A0] =	vst v2;
	v2 =	vmul.f32 $4.525483320e+01, v4;
	v4 =	vld [tilespmem:s6+$0x130]  }
0x205: {  	[tilespmem:s6+$0xFFFFFE30] =	vst v3;
	v3 =	vmul.f32 $4.525483320e+01, v7;
	v7 =	vld [tilespmem:s6+$0x1B0]  }
0x206: {  	[tilespmem:s6+$0xFFFFFEB0] =	vst v2;
	v2 =	vmul.f32 $4.525483320e+01, v8;
	v8 =	vld [tilespmem:s6+$0xFFFFFE40]  }
0x207: {  	[tilespmem:s6+$0xFFFFFF30] =	vst v3;
	v3 =	vmul.f32 $4.525483320e+01, v5;
	v5 =	vld [tilespmem:s6+$0xFFFFFEC0]  }
0x208: {  	[tilespmem:s6+$0xFFFFFFB0] =	vst v2;
	v2 =	vmul.f32 $4.525483320e+01, v6;
	v6 =	vld [tilespmem:s6+$0xFFFFFF40]  }
0x209: {  	[tilespmem:s6+$0x30] =	vst v3;
	v3 =	vmul.f32 $4.525483320e+01, v4;
	v4 =	vld [tilespmem:s6+$0xFFFFFFC0]  }
0x20a: {  	[tilespmem:s6+$0xB0] =	vst v2;
	v2 =	vmul.f32 $4.525483320e+01, v7;
	v7 =	vld [tilespmem:s6+$0x40]  }
0x20b: {  	[tilespmem:s6+$0x130] =	vst v3;
	v3 =	vmul.f32 $4.525483320e+01, v8;
	v8 =	vld [tilespmem:s6+$0xC0]  }
0x20c: {  	[tilespmem:s6+$0x1B0] =	vst v2;
	v2 =	vmul.f32 $4.525483320e+01, v5;
	v5 =	vld [tilespmem:s6+$0x140]  }
0x20d: {  	[tilespmem:s6+$0xFFFFFE40] =	vst v3;
	v3 =	vmul.f32 $4.525483320e+01, v6;
	v6 =	vld [tilespmem:s6+$0x1C0]  }
0x20e: {  	[tilespmem:s6+$0xFFFFFEC0] =	vst v2;
	v2 =	vmul.f32 $4.525483320e+01, v4;
	v4 =	vld [tilespmem:s6+$0xFFFFFE50]  }
0x20f: {  	[tilespmem:s6+$0xFFFFFF40] =	vst v3;
	v3 =	vmul.f32 $4.525483320e+01, v7;
	v7 =	vld [tilespmem:s6+$0xFFFFFED0]  }
0x210: {  	[tilespmem:s6+$0xFFFFFFC0] =	vst v2;
	v2 =	vmul.f32 $4.525483320e+01, v8;
	v8 =	vld [tilespmem:s6+$0xFFFFFF50]  }
0x211: {  	[tilespmem:s6+$0x40] =	vst v3;
	v3 =	vmul.f32 $4.525483320e+01, v5;
	v5 =	vld [tilespmem:s6+$0xFFFFFFD0]  }
0x212: {  	[tilespmem:s6+$0xC0] =	vst v2;
	v2 =	vmul.f32 $4.525483320e+01, v6;
	v6 =	vld [tilespmem:s6+$0x50]  }
0x213: {  	[tilespmem:s6+$0x140] =	vst v3;
	v3 =	vmul.f32 $4.525483320e+01, v4;
	v4 =	vld [tilespmem:s6+$0xD0]  }
0x214: {  	[tilespmem:s6+$0x1C0] =	vst v2;
	v2 =	vmul.f32 $4.525483320e+01, v7;
	v7 =	vld [tilespmem:s6+$0x150]  }
0x215: {  	[tilespmem:s6+$0xFFFFFE50] =	vst v3;
	v3 =	vmul.f32 $4.525483320e+01, v8;
	v8 =	vld [tilespmem:s6+$0x1D0]  }
0x216: {  	[tilespmem:s6+$0xFFFFFED0] =	vst v2;
	v2 =	vmul.f32 $4.525483320e+01, v5;
	v5 =	vld [tilespmem:s6+$0xFFFFFE60]  }
0x217: {  	[tilespmem:s6+$0xFFFFFF50] =	vst v3;
	v3 =	vmul.f32 $4.525483320e+01, v6;
	v6 =	vld [tilespmem:s6+$0xFFFFFEE0]  }
0x218: {  	[tilespmem:s6+$0xFFFFFFD0] =	vst v2;
	v2 =	vmul.f32 $4.525483320e+01, v4;
	v4 =	vld [tilespmem:s6+$0xFFFFFF60]  }
0x219: {  	[tilespmem:s6+$0x50] =	vst v3;
	v3 =	vmul.f32 $4.525483320e+01, v7;
	v7 =	vld [tilespmem:s6+$0xFFFFFFE0]  }
0x21a: {  	[tilespmem:s6+$0xD0] =	vst v2;
	v2 =	vmul.f32 $4.525483320e+01, v8;
	v8 =	vld [tilespmem:s6+$0x60]  }
0x21b: {  	[tilespmem:s6+$0x150] =	vst v3;
	v3 =	vmul.f32 $4.525483320e+01, v5;
	v5 =	vld [tilespmem:s6+$0xE0]  }
0x21c: {  	[tilespmem:s6+$0x1D0] =	vst v2;
	v2 =	vmul.f32 $4.525483320e+01, v6;
	v6 =	vld [tilespmem:s6+$0x160]  }
0x21d: {  	[tilespmem:s6+$0xFFFFFE60] =	vst v3;
	v3 =	vmul.f32 $4.525483320e+01, v4;
	v4 =	vld [tilespmem:s6+$0x1E0]  }
0x21e: {  	[tilespmem:s6+$0xFFFFFEE0] =	vst v2;
	v2 =	vmul.f32 $4.525483320e+01, v7;
	v7 =	vld [tilespmem:s6+$0xFFFFFE70]  }
0x21f: {  	[tilespmem:s6+$0xFFFFFF60] =	vst v3;
	v3 =	vmul.f32 $4.525483320e+01, v8;
	v8 =	vld [tilespmem:s6+$0xFFFFFEF0]  }
0x220: {  	[tilespmem:s6+$0xFFFFFFE0] =	vst v2;
	v5 =	vmul.f32 $4.525483320e+01, v5;
	v9 =	vld [tilespmem:s6+$0xFFFFFF70]  }
.Ltmp2:
0x221: {  	[tilespmem:s6+$0x60] =	vst v3;
	v6 =	vmul.f32 $4.525483320e+01, v6;
	v2 =	vld [tilespmem:s6+$0xFFFFFFF0];
	(pc) =	sbr.rel @p1 .LBB2_7-.Ltmp2, $4  }
0x222: {  	[tilespmem:s6+$0xE0] =	vst v5;
	v5 =	vmul.f32 $4.525483320e+01, v4;
	v3 =	vld [tilespmem:s6+$0x70]  }
0x223: {  	[tilespmem:s6+$0x160] =	vst v6;
	v10 =	vmul.f32 $4.525483320e+01, v7;
	v4 =	vld [tilespmem:s6+$0xF0]  }
0x224: {  	[tilespmem:s6+$0x1E0] =	vst v5;
	v7 =	vmul.f32 $4.525483320e+01, v8;
	v5 =	vld [tilespmem:s6+$0x170]  }
0x225: {  	s6 =	sadd.s32 $0x400, s6;
	v6 =	vld [tilespmem:s1+$0xFFFFFE00];
	[tilespmem:s1+$0xFFFFFE70] =	vst v10;
	v8 =	vmul.f32 $4.525483320e+01, v9  }
0x226: {  	[tilespmem:s1+$0xFFFFFEF0] =	vst v7;
	v2 =	vmul.f32 $4.525483320e+01, v2  }
0x227: {  	[tilespmem:s1+$0xFFFFFF70] =	vst v8;
	v3 =	vmul.f32 $4.525483320e+01, v3  }
0x228: {  	[tilespmem:s1+$0xFFFFFFF0] =	vst v2;
	v2 =	vmul.f32 $4.525483320e+01, v4  }
0x229: {  	s6 =	sadd.s32 s5, s29;
	[tilespmem:s1+$0x70] =	vst v3;
	v3 =	vmul.f32 $4.525483320e+01, v5  }
0x22a: {  	s6 =	sshll.u32 s6, $0xB;
	v4 =	vmul.f32 $4.525483320e+01, v6;
	[tilespmem:s1+$0xF0] =	vst v2  }
0x22b: {  	s6 =	sand.u32 $0x1FFFF000, s6;
	[tilespmem:s1+$0x170] =	vst v3  }
0x22c: {  	s29 =	sadd.s32 s3, s6;
	[tilespmem:s1+$0xFFFFFE00] =	vst v4;
	s1 =	simm.s32 @!p0 $0x6  }
0x22d: {  	[hbm4b:s29+s4] =	stream.linear.scatter [tilespmem:s20], [sflag:$0x7], $0x4000, $0x38;
	[tilespmem:$0x10400] =	vst v63  }
0x22e: {  	_ =	swait.ge @!p0 [sflag:s1], $0x4000  }
0x22f: {  	[sflag:s1] =	ssyncset.done @!p0 $0x0  }
0x230: {  	[sflag:s1] =	ssyncadd.s32 @!p0 $0xFFFFC000  }
0x231: {  	v2 =	vld.msk @!p0 [tilespmem:s0+$0x28], $0xff;
	_ =	sdelay $0x4  }
0x232: {  	v3 =	vshll.u32 @!p0 v2, $0x4  }
0x233: {  	v4 =	vlaneseq.u32 @!p0;
	v2 =	vand.u32 @!p0 $0x7, v2;
	v3 =	vand.u32 @!p0 $0xFFFFFF80, v3  }
0x234: {  	v2 =	vor.u32 @!p0 v2, v3;
	v3 =	vand.u32 @!p0 $0x7, v4;
	v4 =	vshrl.u32 @!p0 v4, $0x3  }
0x235: {  	v2 =	vperm.xlane @!p0 v2, v3;
	v3 =	vmul.u32 @!p0 $0x8, v4;
	_ =	sdelay $0x1  }
0x236: {  	v2 =	vadd.s32 @!p0 v3, v2;
	_ =	sdelay $0x3  }
0x237: {  	s1 =	simm.s32 @!p0 $0x4400;
	s0 =	simm.s32 @!p0 $0x0  }
0x238: {  	[tilespmem:s1], [sflag:$0x2] =	stream.indirect_vreg.gather @!p0 [hbm4b:s2+s0], $0x80, v2, vm1, $0xb8;
	[tilespmem:$0x10400] =	vst v63  }
0x239: {  	s1 =	simm.s32 @!p0 $0x4C00  }
0x23a: {  	[tilespmem:s1], [sflag:$0x2] =	stream.indirect_vreg.gather @!p0 [hbm4b:s7+s0], $0x80, v2, vm1, $0xb8;
	[tilespmem:$0x10400] =	vst v63  }
0x23b: {  	s1 =	simm.s32 @!p0 $0x5400  }
0x23c: {  	[tilespmem:s1], [sflag:$0x2] =	stream.indirect_vreg.gather @!p0 [hbm4b:s8+s0], $0x80, v2, vm1, $0xb8;
	[tilespmem:$0x10400] =	vst v63  }
0x23d: {  	s1 =	simm.s32 @!p0 $0x5C00  }
0x23e: {  	[tilespmem:s1], [sflag:$0x2] =	stream.indirect_vreg.gather @!p0 [hbm4b:s9+s0], $0x80, v2, vm1, $0xb8;
	[tilespmem:$0x10400] =	vst v63  }
0x23f: {  	s1 =	simm.s32 @!p0 $0x6400  }
0x240: {  	[tilespmem:s1], [sflag:$0x2] =	stream.indirect_vreg.gather @!p0 [hbm4b:s10+s0], $0x80, v2, vm1, $0xb8;
	[tilespmem:$0x10400] =	vst v63  }
0x241: {  	s1 =	simm.s32 @!p0 $0x6C00  }
0x242: {  	[tilespmem:s1], [sflag:$0x2] =	stream.indirect_vreg.gather @!p0 [hbm4b:s11+s0], $0x80, v2, vm1, $0xb8;
	[tilespmem:$0x10400] =	vst v63  }
0x243: {  	s1 =	simm.s32 @!p0 $0x7400  }
0x244: {  	[tilespmem:s1], [sflag:$0x2] =	stream.indirect_vreg.gather @!p0 [hbm4b:s12+s0], $0x80, v2, vm1, $0xb8;
	[tilespmem:$0x10400] =	vst v63  }
0x245: {  	s1 =	simm.s32 @!p0 $0x7C00  }
0x246: {  	[tilespmem:s1], [sflag:$0x2] =	stream.indirect_vreg.gather @!p0 [hbm4b:s14+s0], $0x80, v2, vm1, $0xb8;
	[tilespmem:$0x10400] =	vst v63  }
0x247: {  	_ =	swait.ge [sflag:s24], $0x4000  }
0x248: {  	[sflag:s24] =	ssyncset.done $0x0  }
0x249: {  	s0 =	simm.s32 $0xC600;
	[sflag:s24] =	ssyncadd.s32 $0xFFFFC000  }
0x24a: {  	v2 =	vld [tilespmem:s0+$0x1F0]  }
0x24b: {  	v3 =	vld [tilespmem:s0+$0xFFFFFE80]  }
0x24c: {  	v4 =	vld [tilespmem:s0+$0xFFFFFF00]  }
0x24d: {  	v13 =	vld [tilespmem:s0+$0xFFFFFF90]  }
0x24e: {  	v10 =	vld [tilespmem:s0+$0xFFFFFE10]  }
0x24f: {  	v6 =	vld [tilespmem:s0+$0x0];
	v2 =	vmul.f32 $4.525483320e+01, v2  }
0x250: {  	v5 =	vld [tilespmem:s0+$0xFFFFFF80];
	v3 =	vmul.f32 $4.525483320e+01, v3  }
0x251: {  	v8 =	vld [tilespmem:s0+$0x100];
	v4 =	vmul.f32 $4.525483320e+01, v4;
	[tilespmem:s0+$0x1F0] =	vst v2  }
0x252: {  	v7 =	vld [tilespmem:s0+$0x80];
	v62 =	vmul.f32 $4.525483320e+01, v13;
	[tilespmem:s0+$0xFFFFFE80] =	vst v3  }
0x253: {  	v11 =	vld [tilespmem:s0+$0xFFFFFE90];
	v2 =	vmul.f32 $4.525483320e+01, v10;
	[tilespmem:s0+$0xFFFFFF00] =	vst v4  }
0x254: {  	v3 =	vld [tilespmem:s0+$0x110];
	v4 =	vmul.f32 $4.525483320e+01, v6;
	[tilespmem:s0+$0xFFFFFF90] =	vst v62  }
0x255: {  	v9 =	vld [tilespmem:s0+$0x180];
	[tilespmem:s0+$0xFFFFFE10] =	vst v2;
	v2 =	vmul.f32 $4.525483320e+01, v5  }
0x256: {  	v6 =	vld [tilespmem:s0+$0xFFFFFE20];
	[tilespmem:s0+$0x0] =	vst v4;
	v4 =	vmul.f32 $4.525483320e+01, v8  }
0x257: {  	v5 =	vld [tilespmem:s0+$0x190];
	[tilespmem:s0+$0xFFFFFF80] =	vst v2;
	v2 =	vmul.f32 $4.525483320e+01, v7  }
0x258: {  	v14 =	vld [tilespmem:s0+$0x10];
	[tilespmem:s0+$0x100] =	vst v4;
	v4 =	vmul.f32 $4.525483320e+01, v11  }
0x259: {  	v12 =	vld [tilespmem:s0+$0xFFFFFF10];
	v3 =	vmul.f32 $4.525483320e+01, v3;
	[tilespmem:s0+$0x80] =	vst v2  }
0x25a: {  	v8 =	vld [tilespmem:s0+$0xFFFFFF20];
	v2 =	vmul.f32 $4.525483320e+01, v9;
	[tilespmem:s0+$0xFFFFFE90] =	vst v4  }
0x25b: {  	v10 =	vld [tilespmem:s0+$0x90];
	v4 =	vmul.f32 $4.525483320e+01, v6;
	[tilespmem:s0+$0x110] =	vst v3  }
0x25c: {  	v7 =	vld [tilespmem:s0+$0xFFFFFEA0];
	v5 =	vmul.f32 $4.525483320e+01, v5;
	[tilespmem:s0+$0x180] =	vst v2  }
0x25d: {  	v11 =	vld [tilespmem:s0+$0x20];
	[tilespmem:s0+$0xFFFFFE20] =	vst v4;
	v4 =	vmul.f32 $4.525483320e+01, v14  }
0x25e: {  	v9 =	vld [tilespmem:s0+$0xFFFFFFA0];
	v2 =	vmul.f32 $4.525483320e+01, v12;
	[tilespmem:s0+$0x190] =	vst v5  }
0x25f: {  	v5 =	vmul.f32 $4.525483320e+01, v8;
	[tilespmem:s0+$0x10] =	vst v4;
	v4 =	vld [tilespmem:s0+$0xFFFFFE30]  }
0x260: {  	v10 =	vmul.f32 $4.525483320e+01, v10;
	[tilespmem:s0+$0xFFFFFF10] =	vst v2;
	v2 =	vld [tilespmem:s0+$0x120]  }
0x261: {  	v3 =	vmul.f32 $4.525483320e+01, v7;
	[tilespmem:s0+$0xFFFFFF20] =	vst v5;
	v5 =	vld [tilespmem:s0+$0xB0]  }
0x262: {  	v6 =	vld [tilespmem:s0+$0xA0];
	[tilespmem:s0+$0x90] =	vst v10;
	v11 =	vmul.f32 $4.525483320e+01, v11  }
0x263: {  	v10 =	vld [tilespmem:s0+$0xFFFFFEB0];
	[tilespmem:s0+$0xFFFFFEA0] =	vst v3;
	v3 =	vmul.f32 $4.525483320e+01, v9  }
0x264: {  	v63 =	vld [tilespmem:s0+$0x1A0];
	[tilespmem:s0+$0x20] =	vst v11;
	v4 =	vmul.f32 $4.525483320e+01, v4  }
0x265: {  	v8 =	vld [tilespmem:s0+$0xFFFFFFB0];
	[tilespmem:s0+$0xFFFFFFA0] =	vst v3;
	v2 =	vmul.f32 $4.525483320e+01, v2  }
0x266: {  	v7 =	vld [tilespmem:s0+$0xFFFFFF30];
	v5 =	vmul.f32 $4.525483320e+01, v5;
	[tilespmem:s0+$0xFFFFFE30] =	vst v4  }
0x267: {  	v11 =	vld [tilespmem:s0+$0xFFFFFE40];
	v4 =	vmul.f32 $4.525483320e+01, v6;
	[tilespmem:s0+$0x120] =	vst v2  }
0x268: {  	v9 =	vld [tilespmem:s0+$0x30];
	v2 =	vmul.f32 $4.525483320e+01, v10;
	[tilespmem:s0+$0xB0] =	vst v5  }
0x269: {  	v3 =	vld [tilespmem:s0+$0x130];
	[tilespmem:s0+$0xA0] =	vst v4;
	v4 =	vmul.f32 $4.525483320e+01, v63  }
0x26a: {  	v6 =	vld [tilespmem:s0+$0x1B0];
	[tilespmem:s0+$0xFFFFFEB0] =	vst v2;
	v2 =	vmul.f32 $4.525483320e+01, v8  }
0x26b: {  	v10 =	vld [tilespmem:s0+$0xFFFFFEC0];
	[tilespmem:s0+$0x1A0] =	vst v4;
	v4 =	vmul.f32 $4.525483320e+01, v7  }
0x26c: {  	v7 =	vld [tilespmem:s0+$0xFFFFFF40];
	[tilespmem:s0+$0xFFFFFFB0] =	vst v2;
	v2 =	vmul.f32 $4.525483320e+01, v11  }
0x26d: {  	v8 =	vld [tilespmem:s0+$0xFFFFFFC0];
	[tilespmem:s0+$0xFFFFFF30] =	vst v4;
	v4 =	vmul.f32 $4.525483320e+01, v9  }
0x26e: {  	v9 =	vld [tilespmem:s0+$0x40];
	[tilespmem:s0+$0xFFFFFE40] =	vst v2;
	v2 =	vmul.f32 $4.525483320e+01, v3  }
0x26f: {  	v11 =	vld [tilespmem:s0+$0xC0];
	v3 =	vmul.f32 $4.525483320e+01, v6;
	[tilespmem:s0+$0x30] =	vst v4  }
0x270: {  	v6 =	vld [tilespmem:s0+$0xFFFFFE50];
	[tilespmem:s0+$0x130] =	vst v2;
	v2 =	vmul.f32 $4.525483320e+01, v10  }
0x271: {  	v4 =	vld [tilespmem:s0+$0x140];
	[tilespmem:s0+$0x1B0] =	vst v3;
	v3 =	vmul.f32 $4.525483320e+01, v7  }
0x272: {  	v5 =	vld [tilespmem:s0+$0x1C0];
	[tilespmem:s0+$0xFFFFFEC0] =	vst v2;
	v2 =	vmul.f32 $4.525483320e+01, v8  }
0x273: {  	v7 =	vld [tilespmem:s0+$0xFFFFFED0];
	[tilespmem:s0+$0xFFFFFF40] =	vst v3;
	v3 =	vmul.f32 $4.525483320e+01, v9  }
0x274: {  	v8 =	vld [tilespmem:s0+$0xFFFFFF50];
	[tilespmem:s0+$0xFFFFFFC0] =	vst v2;
	v2 =	vmul.f32 $4.525483320e+01, v11  }
0x275: {  	v9 =	vld [tilespmem:s0+$0xFFFFFFD0];
	[tilespmem:s0+$0x40] =	vst v3;
	v3 =	vmul.f32 $4.525483320e+01, v6  }
0x276: {  	v10 =	vld [tilespmem:s0+$0x50];
	v4 =	vmul.f32 $4.525483320e+01, v4;
	[tilespmem:s0+$0xC0] =	vst v2  }
0x277: {  	v6 =	vld [tilespmem:s0+$0xD0];
	[tilespmem:s0+$0xFFFFFE50] =	vst v3;
	v3 =	vmul.f32 $4.525483320e+01, v5  }
0x278: {  	v2 =	vld [tilespmem:s0+$0x150];
	[tilespmem:s0+$0x140] =	vst v4;
	v4 =	vmul.f32 $4.525483320e+01, v7  }
0x279: {  	v5 =	vld [tilespmem:s0+$0x1D0];
	[tilespmem:s0+$0x1C0] =	vst v3;
	v3 =	vmul.f32 $4.525483320e+01, v8  }
0x27a: {  	v7 =	vld [tilespmem:s0+$0xFFFFFE60];
	[tilespmem:s0+$0xFFFFFED0] =	vst v4;
	v4 =	vmul.f32 $4.525483320e+01, v9  }
0x27b: {  	v8 =	vld [tilespmem:s0+$0xFFFFFEE0];
	[tilespmem:s0+$0xFFFFFF50] =	vst v3;
	v3 =	vmul.f32 $4.525483320e+01, v10  }
0x27c: {  	v9 =	vld [tilespmem:s0+$0xFFFFFF60];
	[tilespmem:s0+$0xFFFFFFD0] =	vst v4;
	v4 =	vmul.f32 $4.525483320e+01, v6  }
0x27d: {  	v6 =	vld [tilespmem:s0+$0xFFFFFFE0];
	v2 =	vmul.f32 $4.525483320e+01, v2;
	[tilespmem:s0+$0x50] =	vst v3  }
0x27e: {  	v5 =	vmul.f32 $4.525483320e+01, v5;
	v3 =	vld [tilespmem:s0+$0x60];
	[tilespmem:s0+$0xD0] =	vst v4  }
0x27f: {  	v4 =	vmul.f32 $4.525483320e+01, v7;
	v7 =	vld [tilespmem:s0+$0xE0];
	[tilespmem:s0+$0x150] =	vst v2  }
0x280: {  	v2 =	vld [tilespmem:s0+$0x160];
	v8 =	vmul.f32 $4.525483320e+01, v8;
	[tilespmem:s0+$0x1D0] =	vst v5  }
0x281: {  	v5 =	vld [tilespmem:s0+$0x1E0];
	[tilespmem:s0+$0xFFFFFE60] =	vst v4;
	v4 =	vmul.f32 $4.525483320e+01, v9  }
0x282: {  	[tilespmem:s0+$0xFFFFFEE0] =	vst v8;
	v6 =	vmul.f32 $4.525483320e+01, v6;
	v8 =	vld [tilespmem:s0+$0xFFFFFE70]  }
0x283: {  	v9 =	vld [tilespmem:s0+$0xFFFFFEF0];
	[tilespmem:s0+$0xFFFFFF60] =	vst v4;
	v3 =	vmul.f32 $4.525483320e+01, v3  }
0x284: {  	v10 =	vld [tilespmem:s0+$0xFFFFFF70];
	[tilespmem:s0+$0xFFFFFFE0] =	vst v6;
	v4 =	vmul.f32 $4.525483320e+01, v7  }
0x285: {  	v6 =	vmul.f32 $4.525483320e+01, v2;
	v2 =	vld [tilespmem:s0+$0xFFFFFFF0];
	[tilespmem:s0+$0x60] =	vst v3  }
0x286: {  	v5 =	vmul.f32 $4.525483320e+01, v5;
	[tilespmem:s0+$0xE0] =	vst v4;
	v3 =	vld [tilespmem:s0+$0x70]  }
0x287: {  	[tilespmem:s0+$0x160] =	vst v6;
	v4 =	vld [tilespmem:s0+$0xF0];
	v8 =	vmul.f32 $4.525483320e+01, v8  }
0x288: {  	v7 =	vmul.f32 $4.525483320e+01, v9;
	[tilespmem:s0+$0x1E0] =	vst v5;
	v5 =	vld [tilespmem:s0+$0x170]  }
0x289: {  	s6 =	simm.s32 $0xCA00;
	s1 =	simm.s32 $0x0;
	v6 =	vld [tilespmem:s0+$0xFFFFFE00];
	[tilespmem:s0+$0xFFFFFE70] =	vst v8;
	v8 =	vmul.f32 $4.525483320e+01, v10  }
.LBB2_9:
0x28a: {  	v9 =	vld [tilespmem:s6+$0x1F0];
	s1 =	sadd.s32 $0x8, s1;
	[tilespmem:s0+$0xFFFFFEF0] =	vst v7;
	v2 =	vmul.f32 $4.525483320e+01, v2  }
0x28b: {  	v7 =	vld [tilespmem:s6+$0xFFFFFE80];
	p0 =	slt.u32 s1, $0x78;
	[tilespmem:s0+$0xFFFFFF70] =	vst v8;
	v3 =	vmul.f32 $4.525483320e+01, v3  }
0x28c: {  	v8 =	vld [tilespmem:s6+$0xFFFFFF00];
	[tilespmem:s0+$0xFFFFFFF0] =	vst v2;
	v2 =	vmul.f32 $4.525483320e+01, v4  }
0x28d: {  	v4 =	vld [tilespmem:s6+$0xFFFFFF80];
	[tilespmem:s0+$0x70] =	vst v3;
	v3 =	vmul.f32 $4.525483320e+01, v5  }
0x28e: {  	v5 =	vld [tilespmem:s6+$0x0];
	v6 =	vmul.f32 $4.525483320e+01, v6;
	[tilespmem:s0+$0xF0] =	vst v2  }
0x28f: {  	v2 =	vld [tilespmem:s6+$0x80];
	v9 =	vmul.f32 $4.525483320e+01, v9;
	[tilespmem:s0+$0x170] =	vst v3  }
0x290: {  	v3 =	vmul.f32 $4.525483320e+01, v7;
	v7 =	vld [tilespmem:s6+$0x100];
	[tilespmem:s0+$0xFFFFFE00] =	vst v6;
	s0 =	smov.u32 s6  }
0x291: {  	v6 =	vmul.f32 $4.525483320e+01, v8;
	v8 =	vld [tilespmem:s6+$0x180];
	[tilespmem:s6+$0x1F0] =	vst v9  }
0x292: {  	[tilespmem:s6+$0xFFFFFE80] =	vst v3;
	v3 =	vmul.f32 $4.525483320e+01, v4;
	v4 =	vld [tilespmem:s6+$0xFFFFFE10]  }
0x293: {  	[tilespmem:s6+$0xFFFFFF00] =	vst v6;
	v5 =	vmul.f32 $4.525483320e+01, v5;
	v6 =	vld [tilespmem:s6+$0xFFFFFE90]  }
0x294: {  	[tilespmem:s6+$0xFFFFFF80] =	vst v3;
	v2 =	vmul.f32 $4.525483320e+01, v2;
	v3 =	vld [tilespmem:s6+$0xFFFFFF10]  }
0x295: {  	[tilespmem:s6+$0x0] =	vst v5;
	v5 =	vmul.f32 $4.525483320e+01, v7;
	v7 =	vld [tilespmem:s6+$0xFFFFFF90]  }
0x296: {  	[tilespmem:s6+$0x80] =	vst v2;
	v2 =	vmul.f32 $4.525483320e+01, v8;
	v8 =	vld [tilespmem:s6+$0x10]  }
0x297: {  	[tilespmem:s6+$0x100] =	vst v5;
	v4 =	vmul.f32 $4.525483320e+01, v4;
	v5 =	vld [tilespmem:s6+$0x90]  }
0x298: {  	[tilespmem:s6+$0x180] =	vst v2;
	v2 =	vmul.f32 $4.525483320e+01, v6;
	v6 =	vld [tilespmem:s6+$0x110]  }
0x299: {  	[tilespmem:s6+$0xFFFFFE10] =	vst v4;
	v3 =	vmul.f32 $4.525483320e+01, v3;
	v4 =	vld [tilespmem:s6+$0x190]  }
0x29a: {  	[tilespmem:s6+$0xFFFFFE90] =	vst v2;
	v2 =	vmul.f32 $4.525483320e+01, v7;
	v7 =	vld [tilespmem:s6+$0xFFFFFE20]  }
0x29b: {  	[tilespmem:s6+$0xFFFFFF10] =	vst v3;
	v3 =	vmul.f32 $4.525483320e+01, v8;
	v8 =	vld [tilespmem:s6+$0xFFFFFEA0]  }
0x29c: {  	[tilespmem:s6+$0xFFFFFF90] =	vst v2;
	v2 =	vmul.f32 $4.525483320e+01, v5;
	v5 =	vld [tilespmem:s6+$0xFFFFFF20]  }
0x29d: {  	[tilespmem:s6+$0x10] =	vst v3;
	v3 =	vmul.f32 $4.525483320e+01, v6;
	v6 =	vld [tilespmem:s6+$0xFFFFFFA0]  }
0x29e: {  	[tilespmem:s6+$0x90] =	vst v2;
	v2 =	vmul.f32 $4.525483320e+01, v4;
	v4 =	vld [tilespmem:s6+$0x20]  }
0x29f: {  	[tilespmem:s6+$0x110] =	vst v3;
	v3 =	vmul.f32 $4.525483320e+01, v7;
	v7 =	vld [tilespmem:s6+$0xA0]  }
0x2a0: {  	[tilespmem:s6+$0x190] =	vst v2;
	v2 =	vmul.f32 $4.525483320e+01, v8;
	v8 =	vld [tilespmem:s6+$0x120]  }
0x2a1: {  	[tilespmem:s6+$0xFFFFFE20] =	vst v3;
	v3 =	vmul.f32 $4.525483320e+01, v5;
	v5 =	vld [tilespmem:s6+$0x1A0]  }
0x2a2: {  	[tilespmem:s6+$0xFFFFFEA0] =	vst v2;
	v2 =	vmul.f32 $4.525483320e+01, v6;
	v6 =	vld [tilespmem:s6+$0xFFFFFE30]  }
0x2a3: {  	[tilespmem:s6+$0xFFFFFF20] =	vst v3;
	v3 =	vmul.f32 $4.525483320e+01, v4;
	v4 =	vld [tilespmem:s6+$0xFFFFFEB0]  }
0x2a4: {  	[tilespmem:s6+$0xFFFFFFA0] =	vst v2;
	v2 =	vmul.f32 $4.525483320e+01, v7;
	v7 =	vld [tilespmem:s6+$0xFFFFFF30]  }
0x2a5: {  	[tilespmem:s6+$0x20] =	vst v3;
	v3 =	vmul.f32 $4.525483320e+01, v8;
	v8 =	vld [tilespmem:s6+$0xFFFFFFB0]  }
0x2a6: {  	[tilespmem:s6+$0xA0] =	vst v2;
	v2 =	vmul.f32 $4.525483320e+01, v5;
	v5 =	vld [tilespmem:s6+$0x30]  }
0x2a7: {  	[tilespmem:s6+$0x120] =	vst v3;
	v3 =	vmul.f32 $4.525483320e+01, v6;
	v6 =	vld [tilespmem:s6+$0xB0]  }
0x2a8: {  	[tilespmem:s6+$0x1A0] =	vst v2;
	v2 =	vmul.f32 $4.525483320e+01, v4;
	v4 =	vld [tilespmem:s6+$0x130]  }
0x2a9: {  	[tilespmem:s6+$0xFFFFFE30] =	vst v3;
	v3 =	vmul.f32 $4.525483320e+01, v7;
	v7 =	vld [tilespmem:s6+$0x1B0]  }
0x2aa: {  	[tilespmem:s6+$0xFFFFFEB0] =	vst v2;
	v2 =	vmul.f32 $4.525483320e+01, v8;
	v8 =	vld [tilespmem:s6+$0xFFFFFE40]  }
0x2ab: {  	[tilespmem:s6+$0xFFFFFF30] =	vst v3;
	v3 =	vmul.f32 $4.525483320e+01, v5;
	v5 =	vld [tilespmem:s6+$0xFFFFFEC0]  }
0x2ac: {  	[tilespmem:s6+$0xFFFFFFB0] =	vst v2;
	v2 =	vmul.f32 $4.525483320e+01, v6;
	v6 =	vld [tilespmem:s6+$0xFFFFFF40]  }
0x2ad: {  	[tilespmem:s6+$0x30] =	vst v3;
	v3 =	vmul.f32 $4.525483320e+01, v4;
	v4 =	vld [tilespmem:s6+$0xFFFFFFC0]  }
0x2ae: {  	[tilespmem:s6+$0xB0] =	vst v2;
	v2 =	vmul.f32 $4.525483320e+01, v7;
	v7 =	vld [tilespmem:s6+$0x40]  }
0x2af: {  	[tilespmem:s6+$0x130] =	vst v3;
	v3 =	vmul.f32 $4.525483320e+01, v8;
	v8 =	vld [tilespmem:s6+$0xC0]  }
0x2b0: {  	[tilespmem:s6+$0x1B0] =	vst v2;
	v2 =	vmul.f32 $4.525483320e+01, v5;
	v5 =	vld [tilespmem:s6+$0x140]  }
0x2b1: {  	[tilespmem:s6+$0xFFFFFE40] =	vst v3;
	v3 =	vmul.f32 $4.525483320e+01, v6;
	v6 =	vld [tilespmem:s6+$0x1C0]  }
0x2b2: {  	[tilespmem:s6+$0xFFFFFEC0] =	vst v2;
	v2 =	vmul.f32 $4.525483320e+01, v4;
	v4 =	vld [tilespmem:s6+$0xFFFFFE50]  }
0x2b3: {  	[tilespmem:s6+$0xFFFFFF40] =	vst v3;
	v3 =	vmul.f32 $4.525483320e+01, v7;
	v7 =	vld [tilespmem:s6+$0xFFFFFED0]  }
0x2b4: {  	[tilespmem:s6+$0xFFFFFFC0] =	vst v2;
	v2 =	vmul.f32 $4.525483320e+01, v8;
	v8 =	vld [tilespmem:s6+$0xFFFFFF50]  }
0x2b5: {  	[tilespmem:s6+$0x40] =	vst v3;
	v3 =	vmul.f32 $4.525483320e+01, v5;
	v5 =	vld [tilespmem:s6+$0xFFFFFFD0]  }
0x2b6: {  	[tilespmem:s6+$0xC0] =	vst v2;
	v2 =	vmul.f32 $4.525483320e+01, v6;
	v6 =	vld [tilespmem:s6+$0x50]  }
0x2b7: {  	[tilespmem:s6+$0x140] =	vst v3;
	v3 =	vmul.f32 $4.525483320e+01, v4;
	v4 =	vld [tilespmem:s6+$0xD0]  }
0x2b8: {  	[tilespmem:s6+$0x1C0] =	vst v2;
	v2 =	vmul.f32 $4.525483320e+01, v7;
	v7 =	vld [tilespmem:s6+$0x150]  }
0x2b9: {  	[tilespmem:s6+$0xFFFFFE50] =	vst v3;
	v3 =	vmul.f32 $4.525483320e+01, v8;
	v8 =	vld [tilespmem:s6+$0x1D0]  }
0x2ba: {  	[tilespmem:s6+$0xFFFFFED0] =	vst v2;
	v2 =	vmul.f32 $4.525483320e+01, v5;
	v5 =	vld [tilespmem:s6+$0xFFFFFE60]  }
0x2bb: {  	[tilespmem:s6+$0xFFFFFF50] =	vst v3;
	v3 =	vmul.f32 $4.525483320e+01, v6;
	v6 =	vld [tilespmem:s6+$0xFFFFFEE0]  }
0x2bc: {  	[tilespmem:s6+$0xFFFFFFD0] =	vst v2;
	v2 =	vmul.f32 $4.525483320e+01, v4;
	v4 =	vld [tilespmem:s6+$0xFFFFFF60]  }
0x2bd: {  	[tilespmem:s6+$0x50] =	vst v3;
	v3 =	vmul.f32 $4.525483320e+01, v7;
	v7 =	vld [tilespmem:s6+$0xFFFFFFE0]  }
0x2be: {  	[tilespmem:s6+$0xD0] =	vst v2;
	v2 =	vmul.f32 $4.525483320e+01, v8;
	v8 =	vld [tilespmem:s6+$0x60]  }
0x2bf: {  	[tilespmem:s6+$0x150] =	vst v3;
	v3 =	vmul.f32 $4.525483320e+01, v5;
	v5 =	vld [tilespmem:s6+$0xE0]  }
0x2c0: {  	[tilespmem:s6+$0x1D0] =	vst v2;
	v2 =	vmul.f32 $4.525483320e+01, v6;
	v6 =	vld [tilespmem:s6+$0x160]  }
0x2c1: {  	[tilespmem:s6+$0xFFFFFE60] =	vst v3;
	v3 =	vmul.f32 $4.525483320e+01, v4;
	v4 =	vld [tilespmem:s6+$0x1E0]  }
0x2c2: {  	[tilespmem:s6+$0xFFFFFEE0] =	vst v2;
	v2 =	vmul.f32 $4.525483320e+01, v7;
	v7 =	vld [tilespmem:s6+$0xFFFFFE70]  }
0x2c3: {  	[tilespmem:s6+$0xFFFFFF60] =	vst v3;
	v3 =	vmul.f32 $4.525483320e+01, v8;
	v8 =	vld [tilespmem:s6+$0xFFFFFEF0]  }
0x2c4: {  	[tilespmem:s6+$0xFFFFFFE0] =	vst v2;
	v5 =	vmul.f32 $4.525483320e+01, v5;
	v9 =	vld [tilespmem:s6+$0xFFFFFF70]  }
.Ltmp3:
0x2c5: {  	[tilespmem:s6+$0x60] =	vst v3;
	v6 =	vmul.f32 $4.525483320e+01, v6;
	v2 =	vld [tilespmem:s6+$0xFFFFFFF0];
	(pc) =	sbr.rel @p0 .LBB2_9-.Ltmp3, $4  }
0x2c6: {  	[tilespmem:s6+$0xE0] =	vst v5;
	v5 =	vmul.f32 $4.525483320e+01, v4;
	v3 =	vld [tilespmem:s6+$0x70]  }
0x2c7: {  	[tilespmem:s6+$0x160] =	vst v6;
	v10 =	vmul.f32 $4.525483320e+01, v7;
	v4 =	vld [tilespmem:s6+$0xF0]  }
0x2c8: {  	[tilespmem:s6+$0x1E0] =	vst v5;
	v7 =	vmul.f32 $4.525483320e+01, v8;
	v5 =	vld [tilespmem:s6+$0x170]  }
0x2c9: {  	s6 =	sadd.s32 $0x400, s6;
	v6 =	vld [tilespmem:s0+$0xFFFFFE00];
	[tilespmem:s0+$0xFFFFFE70] =	vst v10;
	v8 =	vmul.f32 $4.525483320e+01, v9  }
0x2ca: {  	[tilespmem:s0+$0xFFFFFEF0] =	vst v7;
	v2 =	vmul.f32 $4.525483320e+01, v2  }
0x2cb: {  	s25 =	sadd.s32 $0x1, s25;
	[tilespmem:s0+$0xFFFFFF70] =	vst v8;
	v3 =	vmul.f32 $4.525483320e+01, v3  }
0x2cc: {  	p0 =	sne.s32 s25, $0x20;
	[tilespmem:s0+$0xFFFFFFF0] =	vst v2;
	v2 =	vmul.f32 $4.525483320e+01, v4  }
.Ltmp4:
0x2cd: {  	[tilespmem:s0+$0x70] =	vst v3;
	v3 =	vmul.f32 $4.525483320e+01, v5;
	(pc) =	sbr.rel @p0 .LBB2_2-.Ltmp4, $4  }
0x2ce: {  	s1 =	sadd.s32 s5, s28;
	v63 =	vmul.f32 $4.525483320e+01, v6;
	[tilespmem:s0+$0xF0] =	vst v2  }
0x2cf: {  	s1 =	sshll.u32 s1, $0xB;
	[tilespmem:s0+$0x170] =	vst v3  }
0x2d0: {  	s29 =	sadd.s32 s3, s1;
	[tilespmem:s0+$0xFFFFFE00] =	vst v63  }
0x2d1: {  	[hbm4b:s29+s4] =	stream.linear.scatter [tilespmem:s31], [sflag:$0x8], $0x4000, $0x38;
	[tilespmem:$0x10400] =	vst v63  }
0x2d2: {  	s0 =	simm.s32 $0x5  }
0x2d3: {  	_ =	swait.ge [sflag:s0], $0x4000  }
0x2d4: {  	[sflag:s0] =	ssyncset.done $0x0  }
0x2d5: {  	s25 =	simm.s32 $0x6;
	[sflag:s0] =	ssyncadd.s32 $0xFFFFC000  }
0x2d6: {  	_ =	swait.ge [sflag:s25], $0x4000  }
0x2d7: {  	[sflag:s25] =	ssyncset.done $0x0  }
0x2d8: {  	s28 =	simm.s32 $0x7;
	[sflag:s25] =	ssyncadd.s32 $0xFFFFC000  }
0x2d9: {  	_ =	swait.ge [sflag:s28], $0x4000  }
0x2da: {  	[sflag:s28] =	ssyncset.done $0x0  }
0x2db: {  	s1 =	simm.s32 $0x8;
	[sflag:s28] =	ssyncadd.s32 $0xFFFFC000  }
0x2dc: {  	_ =	swait.ge [sflag:s1], $0x4000  }
0x2dd: {  	s6 =	rddreg [dreg:$0x6]  }
0x2de: {  	s29 =	rddreg [dreg:$0x5];
	s6 =	sadd.s32 $0x1, s6  }
0x2df: {  	p0 =	sne.s32 s6, s29  }
.Ltmp5:
0x2e0: {  	_ = 	snop;
	(pc) =	sbr.rel @p0 .LBB2_1-.Ltmp5, $3  }
0x2e1: {  	_ =	sdelay $0x1  }
0x2e2: {  	[sflag:s1] =	ssyncset.done $0x0  }
0x2e3: {  	[sflag:s1] =	ssyncadd.s32 $0xFFFFC000  }
0x2e4: {  	_ =	sfence.sel $0x180000  }
0x2e5: {  	[bflag:$0x0] =	sbarrier.arrive $0xFFFF  }
0x2e6: {  	_ =	strace $0x90000047  }
0x2e7: {  	s0 =	stileid.u32;
	[bflag:$0x2] =	sbarrier.arrive $0xFFFF  }
0x2e8: {  	p0 =	sne.s32 s0, $0x0;
	s0 =	rddreg [dreg:$0x3]  }
0x2e9: {  	s0 =	sadd.s32 @!p0 $0x100000, s0  }
0x2ea: {  	[sflag:s0] =	ssyncadd.tile.s32 @!p0 $0x1;
	_ =	shalt  }
.Lfunc_end2:
_tile_overlayer_lowered:
.L_overlay_start_2:
0x2eb: {  	(tag) =	ssettag $0x2  }
0x2ec: {  	s0 =	rddreg [dreg:$0x0];
	s2 =	stileid.u32  }
0x2ed: {  	s1 =	rddreg [dreg:$0x1];
	p0 =	sne.s32 s2, $0x0  }
0x2ee: {  	s3 =	rddreg [dreg:$0x2];
	[bflag:$0x3] =	sbarrier.arrive $0xFFFF;
	s2 =	simm.s32 @!p0 $0x1C09  }
0x2ef: {  	[timem:s3], [sflag:s2] =	dma.local @!p0 [hbm:s0], s1  }
0x2f0: {  	s0 =	simm.s32 @!p0 $0x9  }
0x2f1: {  	_ =	swait.ge @!p0 [sflag:s0], s1  }
0x2f2: {  	s1 =	ssub.s32 @!p0 $0x0, s1;
	[sflag:s0] =	ssyncset.done @!p0 $0x0  }
0x2f3: {  	[sflag:s0] =	ssyncadd.s32 @!p0 s1  }
0x2f4: {  	[bflag:$0x3] =	sbarrier.arrive $0xFFFF  }
0x2f5: {  	_ =	shalt  }

</sc_bundles>
